<compile_context>
chip_gen: v7x
topology: tpu7x:2x2x1
jax: 0.10.2.dev20260603
libtpu: 0.0.44.dev20260713+nightly
codegen_flags: <defaults>
</compile_context>

<pallas_src>
import functools

import jax
import jax.numpy as jnp
from jax import lax
from jax.experimental import pallas as pl
from jax.experimental.pallas import tpu as pltpu
from jax.experimental.pallas import tpu_sc as plsc

B, S, D = 1, 2048, 768
H, KR = 12, 64
E, TOPK, DFF = 8, 2, 1536

SB = 256
TB = 512
NB = S // SB
NQ = S // TB

NPAIR = S * TOPK
BLKG = 256
MAXB = (NPAIR + E * (BLKG - 1)) // BLKG
P = 6144
CSB = 512


def _ln(h, g, b):
    mu = jnp.mean(h, axis=-1, keepdims=True)
    var = jnp.mean((h - mu) ** 2, axis=-1, keepdims=True)
    return (h - mu) * jax.lax.rsqrt(var + 1e-5) * g + b


def _elu1(x):
    return jnp.where(x > 0, x + 1.0, jnp.exp(x))


def _bdot(a, b):
    return jnp.dot(a.astype(jnp.bfloat16), b.astype(jnp.bfloat16),
                   preferred_element_type=jnp.float32)


def _bdot_t(a, b):
    return jax.lax.dot_general(
        a.astype(jnp.bfloat16), b.astype(jnp.bfloat16),
        dimension_numbers=(((0,), (0,)), ((), ())),
        preferred_element_type=jnp.float32)



def _attn_kernel(x_ref, wq_ref, wk_ref, wv_ref, wo_ref,
                 g1_ref, b1_ref, g2_ref, b2_ref, wr_ref,
                 x1_ref, t_ref, logits_ref, kv_bd, ks_bd, ks_acc):
    p = pl.program_id(0)
    bb = pl.program_id(1)

    @pl.when((p == 0) & (bb == 0))
    def _init():
        kv_bd[...] = jnp.zeros_like(kv_bd)
        ks_acc[...] = jnp.zeros_like(ks_acc)

    x_blk = x_ref[...]
    h = _ln(x_blk, g1_ref[...], b1_ref[...])

    @pl.when(p == 0)
    def _acc():
        k = h @ wk_ref[...]
        v = h @ wv_ref[...]
        pk = _elu1(k)
        kv_bd[...] += jax.lax.dot_general(
            pk, v, (((0,), (0,)), ((), ())),
            preferred_element_type=jnp.float32)
        ks_acc[0:1, :] += jnp.sum(pk, axis=0, keepdims=True)

    @pl.when((p == 0) & (bb == NB - 1))
    def _fin():
        r = lax.broadcasted_iota(jnp.int32, (D, D), 0)
        c = lax.broadcasted_iota(jnp.int32, (D, D), 1)
        bd = (r // KR == c // KR).astype(jnp.float32)
        kv_bd[...] *= bd
        diag_ks = (r == c).astype(jnp.float32) * ks_acc[0:1, :]
        ks_bd[...] = jax.lax.dot_general(
            diag_ks, bd, (((1,), (0,)), ((), ())),
            preferred_element_type=jnp.float32)

    @pl.when(p == 1)
    def _out():
        q = h @ wq_ref[...]
        pq = _elu1(q)
        num = pq @ kv_bd[...]
        den = pq @ ks_bd[...]
        attn_v = num / (den + 1e-6)
        x1 = x_blk + attn_v @ wo_ref[...]
        x1_ref[...] = x1
        t = _ln(x1, g2_ref[...], b2_ref[...])
        t_ref[...] = t
        logits_ref[...] = t @ wr_ref[...]


def _attention(x2d, Wq, Wk, Wv, Wo, g1, b1, g2, b2, Wr):
    full = lambda shape: pl.BlockSpec(
        shape, lambda p, bb: tuple(0 for _ in shape))
    outm = lambda p, bb: (bb * p, 0)
    return pl.pallas_call(
        _attn_kernel,
        grid=(2, NB),
        in_specs=[
            pl.BlockSpec((SB, D), lambda p, bb: (bb, 0)),
            full((D, D)), full((D, D)), full((D, D)), full((D, D)),
            full((1, D)), full((1, D)), full((1, D)), full((1, D)),
            full((D, E)),
        ],
        out_specs=[
            pl.BlockSpec((SB, D), outm),
            pl.BlockSpec((SB, D), outm),
            pl.BlockSpec((SB, E), outm),
        ],
        out_shape=[
            jax.ShapeDtypeStruct((S, D), jnp.float32),
            jax.ShapeDtypeStruct((S, D), jnp.float32),
            jax.ShapeDtypeStruct((S, E), jnp.float32),
        ],
        scratch_shapes=[
            pltpu.VMEM((D, D), jnp.float32),
            pltpu.VMEM((D, D), jnp.float32),
            pltpu.VMEM((8, D), jnp.float32),
        ],
        compiler_params=pltpu.CompilerParams(
            dimension_semantics=("arbitrary", "arbitrary")),
    )(x2d, Wq, Wk, Wv, Wo, g1.reshape(1, D), b1.reshape(1, D),
      g2.reshape(1, D), b2.reshape(1, D), Wr)



def _router_kernel(logits_ref, tv0_ref, tv1_ref, pos0_ref, pos1_ref,
                   meta_ref):
    logits = logits_ref[...]
    m = jnp.max(logits, axis=1, keepdims=True)
    ex = jnp.exp(logits - m)
    p = ex / jnp.sum(ex, axis=1, keepdims=True)
    iota = lax.broadcasted_iota(jnp.int32, (S, E), 1)
    m0 = jnp.max(p, axis=1, keepdims=True)
    i0 = jnp.min(jnp.where(p == m0, iota, E), axis=1, keepdims=True)
    p1 = jnp.where(iota == i0, -1.0, p)
    m1 = jnp.max(p1, axis=1, keepdims=True)
    i1 = jnp.min(jnp.where(p1 == m1, iota, E), axis=1, keepdims=True)
    denom = m0 + m1
    tv0_ref[...] = m0 / denom
    tv1_ref[...] = m1 / denom

    oh0 = (iota == i0).astype(jnp.float32)
    oh1 = (iota == i1).astype(jnp.float32)
    r = lax.broadcasted_iota(jnp.int32, (CSB, CSB), 0)
    c = lax.broadcasted_iota(jnp.int32, (CSB, CSB), 1)
    ltri = (r > c).astype(jnp.float32)

    carry = jnp.zeros((1, E), jnp.float32)
    ranks = []
    for oh in (oh0, oh1):
        for bb in range(S // CSB):
            blk = oh[bb * CSB:(bb + 1) * CSB]
            ex_pre = jax.lax.dot_general(
                ltri, blk, (((1,), (0,)), ((), ()))) + carry
            ranks.append(jnp.sum(ex_pre * blk, axis=1, keepdims=True))
            carry = carry + jnp.sum(blk, axis=0, keepdims=True)
    cnt = carry
    cnt_i = cnt.astype(jnp.int32)
    pcnt_i = ((cnt_i + (BLKG - 1)) // BLKG) * BLKG
    pcnt = pcnt_i.astype(jnp.float32)
    re8 = lax.broadcasted_iota(jnp.int32, (E, E), 0)
    ce8 = lax.broadcasted_iota(jnp.int32, (E, E), 1)
    ltri8 = (re8 < ce8).astype(jnp.float32)
    off = jax.lax.dot_general(pcnt, ltri8, (((1,), (0,)), ((), ())))

    rank0 = jnp.concatenate(ranks[:S // CSB], axis=0)
    rank1 = jnp.concatenate(ranks[S // CSB:], axis=0)
    offg0 = jnp.sum(oh0 * off, axis=1, keepdims=True)
    offg1 = jnp.sum(oh1 * off, axis=1, keepdims=True)
    pos0_ref[...] = (offg0 + rank0).astype(jnp.int32)
    pos1_ref[...] = (offg1 + rank1).astype(jnp.int32)

    total_i = jnp.sum(pcnt).astype(jnp.int32)
    gstart = jnp.minimum(
        lax.broadcasted_iota(jnp.int32, (8, 128), 1) * BLKG,
        total_i - BLKG)
    acc = jnp.zeros((8, 128), jnp.int32)
    for e in range(E):
        sel = (lax.broadcasted_iota(jnp.int32, (1, E), 1) == e).astype(
            jnp.float32)
        off_e = jnp.sum(off * sel).astype(jnp.int32)
        pcnt_e = jnp.sum(pcnt * sel).astype(jnp.int32)
        in_e = (gstart >= off_e) & (gstart < off_e + pcnt_e)
        acc = acc + e * in_e.astype(jnp.int32)
    nact = (jnp.sum(pcnt) / BLKG).astype(jnp.int32)
    col = lax.broadcasted_iota(jnp.int32, (8, 128), 1)
    meta_ref[...] = jnp.where(col == MAXB, nact, acc)


def _router(logits):
    return pl.pallas_call(
        _router_kernel,
        grid=(1,),
        in_specs=[
            pl.BlockSpec((S, E), lambda i: (0, 0)),
        ],
        out_specs=[
            pl.BlockSpec((S, 1), lambda i: (0, 0)),
            pl.BlockSpec((S, 1), lambda i: (0, 0)),
            pl.BlockSpec((S, 1), lambda i: (0, 0)),
            pl.BlockSpec((S, 1), lambda i: (0, 0)),
            pl.BlockSpec((8, 128), lambda i: (0, 0)),
        ],
        out_shape=[
            jax.ShapeDtypeStruct((S, 1), jnp.float32),
            jax.ShapeDtypeStruct((S, 1), jnp.float32),
            jax.ShapeDtypeStruct((S, 1), jnp.int32),
            jax.ShapeDtypeStruct((S, 1), jnp.int32),
            jax.ShapeDtypeStruct((8, 128), jnp.int32),
        ],
    )(logits)



_TOK_PER_TILE = S // 32


@functools.lru_cache(maxsize=None)
def _sc_kernels():
    mesh = plsc.VectorSubcoreMesh(core_axis_name="c", subcore_axis_name="s")

    @functools.partial(
        pl.kernel, mesh=mesh,
        out_type=jax.ShapeDtypeStruct((P, D), jnp.float32),
        scratch_types=[
            pltpu.VMEM((_TOK_PER_TILE,), jnp.int32),
            pltpu.VMEM((_TOK_PER_TILE,), jnp.int32),
            pltpu.VMEM((_TOK_PER_TILE, D), jnp.float32),
        ],
    )
    def sc_dispatch(t_hbm, pos0_hbm, pos1_hbm, out_hbm,
                    idx0_v, idx1_v, rows_v):
        wid = lax.axis_index("s") * 2 + lax.axis_index("c")
        lo = wid * _TOK_PER_TILE
        sl = pl.ds(lo, _TOK_PER_TILE)
        pltpu.sync_copy(pos0_hbm.at[sl], idx0_v)
        pltpu.sync_copy(pos1_hbm.at[sl], idx1_v)
        pltpu.sync_copy(t_hbm.at[sl], rows_v)
        pltpu.sync_copy(rows_v, out_hbm.at[idx0_v])
        pltpu.sync_copy(rows_v, out_hbm.at[idx1_v])

    @functools.partial(
        pl.kernel, mesh=mesh,
        out_type=jax.ShapeDtypeStruct((2, S, D), jnp.float32),
        scratch_types=[
            pltpu.VMEM((_TOK_PER_TILE,), jnp.int32),
            pltpu.VMEM((_TOK_PER_TILE, D), jnp.float32),
            pltpu.SemaphoreType.DMA,
        ],
    )
    def sc_gather_pairs(po_hbm, pos0_hbm, pos1_hbm, out_hbm, idx_v, rows_v,
                        sem):
        wid = lax.axis_index("s") * 2 + lax.axis_index("c")
        lo = wid * _TOK_PER_TILE
        for k, pos_hbm in ((0, pos0_hbm), (1, pos1_hbm)):
            pltpu.sync_copy(pos_hbm.at[pl.ds(lo, _TOK_PER_TILE)], idx_v)
            pltpu.async_copy(po_hbm.at[idx_v], rows_v, sem).wait()
            pltpu.sync_copy(rows_v, out_hbm.at[k].at[pl.ds(lo, _TOK_PER_TILE)])

    return sc_dispatch, sc_gather_pairs


def _sc_dispatch(t, pos0, pos1):
    return _sc_kernels()[0](t, pos0, pos1)


def _sc_gather_pairs(packed_out, pos0, pos1):
    return _sc_kernels()[1](packed_out, pos0, pos1)



def _combine_kernel(x1_ref, g0_ref, g1_ref, tv0_ref, tv1_ref, out_ref):
    out_ref[...] = (x1_ref[...] + tv0_ref[...] * g0_ref[0]
                    + tv1_ref[...] * g1_ref[0])


def _combine(x1, gathered, tv0, tv1):
    return pl.pallas_call(
        _combine_kernel,
        grid=(NQ,),
        in_specs=[
            pl.BlockSpec((TB, D), lambda q: (q, 0)),
            pl.BlockSpec((1, TB, D), lambda q: (0, q, 0)),
            pl.BlockSpec((1, TB, D), lambda q: (1, q, 0)),
            pl.BlockSpec((TB, 1), lambda q: (q, 0)),
            pl.BlockSpec((TB, 1), lambda q: (q, 0)),
        ],
        out_specs=pl.BlockSpec((TB, D), lambda q: (q, 0)),
        out_shape=jax.ShapeDtypeStruct((S, D), jnp.float32),
        compiler_params=pltpu.CompilerParams(
            dimension_semantics=("arbitrary",)),
    )(x1, gathered, gathered, tv0, tv1)



def _gmm_kernel(meta_ref, pt_ref, w1_ref, b1_ref, w2_ref, b2_ref,
                out_ref):
    g = pl.program_id(0)

    @pl.when(g < meta_ref[MAXB])
    def _compute():
        h1 = jax.nn.gelu(_bdot(pt_ref[...], w1_ref[0]) + b1_ref[0])
        out_ref[...] = _bdot(h1, w2_ref[0]) + b2_ref[0]


def _grouped_mm(meta_row, packed_t, W1, b1, W2, b2):
    grid_spec = pltpu.PrefetchScalarGridSpec(
        num_scalar_prefetch=1,
        grid=(MAXB,),
        in_specs=[
            pl.BlockSpec((BLKG, D),
                         lambda g, mr: (jnp.minimum(g, mr[MAXB] - 1), 0)),
            pl.BlockSpec((1, D, DFF), lambda g, mr: (mr[g], 0, 0)),
            pl.BlockSpec((1, 1, DFF), lambda g, mr: (mr[g], 0, 0)),
            pl.BlockSpec((1, DFF, D), lambda g, mr: (mr[g], 0, 0)),
            pl.BlockSpec((1, 1, D), lambda g, mr: (mr[g], 0, 0)),
        ],
        out_specs=pl.BlockSpec((BLKG, D), lambda g, mr: (g, 0)),
    )
    return pl.pallas_call(
        _gmm_kernel,
        grid_spec=grid_spec,
        out_shape=jax.ShapeDtypeStruct((P, D), jnp.float32),
        compiler_params=pltpu.CompilerParams(
            dimension_semantics=("arbitrary",)),
    )(meta_row, packed_t, W1,
      b1.reshape(E, 1, DFF), W2, b2.reshape(E, 1, D))


@jax.jit
def kernel(x, Wq, Wk, Wv, Wo, ln1_g, ln1_b, ln2_g, ln2_b, Wr, W1, b1, W2, b2):
    x2d = x.reshape(S, D)
    x1, t, logits = _attention(x2d, Wq, Wk, Wv, Wo, ln1_g, ln1_b,
                               ln2_g, ln2_b, Wr)
    tv0, tv1, pos0, pos1, meta = _router(logits)
    pos0 = pos0.reshape(S)
    pos1 = pos1.reshape(S)
    packed_t = _sc_dispatch(t, pos0, pos1)
    packed_out = _grouped_mm(meta[0], packed_t, W1, b1, W2, b2)
    gathered = _sc_gather_pairs(packed_out, pos0, pos1)
    out = _combine(x1, gathered, tv0, tv1)
    return out.reshape(B, S, D)

# --- scband reference (transcript-rebuilt; emitter-appended) ---
"""Pipeline reference for scband-mo-velarge-layer-63513976373283 (READ-ONLY COPY).

The authoritative reference and input builder live on the scoring server;
editing this copy changes nothing except your own understanding.
"""

import jax, jax.numpy as jnp
import numpy as np

B, S, D = 1, 2048, 768
H, KR = 12, 64
E, TOPK, DFF = 8, 2, 1536

def _ln(h, g, b):
    mu = jnp.mean(h, axis=-1, keepdims=True)
    var = jnp.mean((h - mu) ** 2, axis=-1, keepdims=True)
    return (h - mu) / jnp.sqrt(var + 1e-5) * g + b

def setup_inputs(seed: int = 0) -> dict:
    key = jax.random.key(seed)
    ks = jax.random.split(key, 16)
    s = 0.02
    return {
        'x': jax.random.normal(ks[0], (B, S, D), jnp.float32),
        'Wq': jax.random.normal(ks[1], (D, H * KR), jnp.float32) * s,
        'Wk': jax.random.normal(ks[2], (D, H * KR), jnp.float32) * s,
        'Wv': jax.random.normal(ks[3], (D, D), jnp.float32) * s,
        'Wo': jax.random.normal(ks[4], (D, D), jnp.float32) * s,
        'ln1_g': jnp.ones((D,), jnp.float32),
        'ln1_b': jnp.zeros((D,), jnp.float32),
        'ln2_g': jnp.ones((D,), jnp.float32),
        'ln2_b': jnp.zeros((D,), jnp.float32),
        'Wr': jax.random.normal(ks[5], (D, E), jnp.float32) * s,
        'W1': jax.random.normal(ks[6], (E, D, DFF), jnp.float32) * s,
        'b1': jnp.zeros((E, DFF), jnp.float32),
        'W2': jax.random.normal(ks[7], (E, DFF, D), jnp.float32) * s,
        'b2': jnp.zeros((E, D), jnp.float32),
    }

def reference(x, Wq, Wk, Wv, Wo, ln1_g, ln1_b, ln2_g, ln2_b, Wr, W1, b1, W2, b2):
    # AttnApprox: rank-k (k=64 per head) linear attention with ELU+1 feature map (eval mode, no mask)
    h = _ln(x, ln1_g, ln1_b)
    q = (h @ Wq).reshape(B, S, H, KR)
    k = (h @ Wk).reshape(B, S, H, KR)
    v = (h @ Wv).reshape(B, S, H, D // H)
    pq = jax.nn.elu(q) + 1.0
    pk = jax.nn.elu(k) + 1.0
    kv = jnp.einsum('bshk,bshv->bhkv', pk, v)
    ksum = jnp.sum(pk, axis=1)
    num = jnp.einsum('bshk,bhkv->bshv', pq, kv)
    den = jnp.einsum('bshk,bhk->bsh', pq, ksum)[..., None] + 1e-6
    attn = (num / den).reshape(B, S, D) @ Wo
    x1 = x + attn  # dropout is identity in eval
    # AdaptiveFFNMoE: top-k softmax router over E experts, GELU expert MLPs (expert_dim=2*d)
    h2 = _ln(x1, ln2_g, ln2_b)
    T = B * S
    t = h2.reshape(T, D)
    logits = t @ Wr
    probs = jax.nn.softmax(logits, axis=-1)
    topv, topi = jax.lax.top_k(probs, TOPK)
    topv = topv / jnp.sum(topv, axis=-1, keepdims=True)
    combine = jnp.zeros((T, E), jnp.float32).at[jnp.arange(T)[:, None], topi].add(topv)
    hexp = jax.nn.gelu(jnp.einsum('td,edf->tef', t, W1) + b1)
    yexp = jnp.einsum('tef,efd->ted', hexp, W2) + b2
    ffn = jnp.einsum('te,ted->td', combine, yexp).reshape(B, S, D)
    return x1 + ffn

if __name__ == "__main__":
    import jax
    _d = setup_inputs()
    print(jax.jit(kernel)(*tuple(_d.values())))

</pallas_src>

<mosaic_0001>
#map = affine_map<(d0, d1) -> (0, 0)>
#map1 = affine_map<(d0, d1) -> (0)>
module attributes {stable_mosaic.version = 14 : i64} {
  func.func @sc_dispatch(%arg0: i32, %arg1: i32, %arg2: memref<2048x768xf32, #tpu.memory_space<hbm>>, %arg3: memref<2048xi32, #tpu.memory_space<hbm>>, %arg4: memref<2048xi32, #tpu.memory_space<hbm>>, %arg5: memref<6144x768xf32, #tpu.memory_space<hbm>>, %arg6: memref<64xi32, #tpu.memory_space<vmem>>, %arg7: memref<64xi32, #tpu.memory_space<vmem>>, %arg8: memref<64x768xf32, #tpu.memory_space<vmem>>) attributes {dimension_semantics = [#tpu.dimension_semantics<core_parallel>, #tpu.dimension_semantics<subcore_parallel>], iteration_bounds = array<i64: 2, 16>, scalar_prefetch = 0 : i64, scratch_operands = 3 : i64, tpu.core_type = #tpu.core_type<sc_vector_subcore>, window_params = [{transform_indices = #map}, {transform_indices = #map1}, {transform_indices = #map1}, {transform_indices = #map}]} {
    %mul3A = arith.constant 2 : i32
    %mul3A_0 = arith.muli %arg1, %mul3A : i32
    %add3A = arith.addi %mul3A_0, %arg0 : i32
    %mul3A_1 = arith.constant 64 : i32
    %mul3A_2 = arith.muli %add3A, %mul3A_1 : i32
    "tpu.region"() ({
      %run_scoped3A = tpu.sem_alloc : memref<!tpu.dma_semaphore, #tpu.memory_space<semaphore_mem>>
      %dma_start3A = tpu.memref_slice %arg3[%mul3A_2] : memref<2048xi32, #tpu.memory_space<hbm>> -> memref<64xi32, #tpu.memory_space<hbm>>
      %dma_start3A_3 = tpu.memref_slice %arg3[%mul3A_2] : memref<2048xi32, #tpu.memory_space<hbm>> -> memref<64xi32, #tpu.memory_space<hbm>>
      tpu.enqueue_dma source(%dma_start3A_3 : memref<64xi32, #tpu.memory_space<hbm>>) target(%arg6 : memref<64xi32, #tpu.memory_space<vmem>>) target_semaphore(%run_scoped3A : memref<!tpu.dma_semaphore, #tpu.memory_space<semaphore_mem>>)
      %dma_wait3A = tpu.memref_slice %arg3[%mul3A_2] : memref<2048xi32, #tpu.memory_space<hbm>> -> memref<64xi32, #tpu.memory_space<hbm>>
      %dma_wait3A_4 = tpu.memref_slice %arg3[%mul3A_2] : memref<2048xi32, #tpu.memory_space<hbm>> -> memref<64xi32, #tpu.memory_space<hbm>>
      tpu.wait_dma2 semaphore(%run_scoped3A : memref<!tpu.dma_semaphore, #tpu.memory_space<semaphore_mem>>) src(%dma_wait3A_4 : memref<64xi32, #tpu.memory_space<hbm>>) dst(%arg6 : memref<64xi32, #tpu.memory_space<vmem>>)
      tpu.yield
    }) : () -> ()
    "tpu.region"() ({
      %run_scoped3A = tpu.sem_alloc : memref<!tpu.dma_semaphore, #tpu.memory_space<semaphore_mem>>
      %dma_start3A = tpu.memref_slice %arg4[%mul3A_2] : memref<2048xi32, #tpu.memory_space<hbm>> -> memref<64xi32, #tpu.memory_space<hbm>>
      %dma_start3A_3 = tpu.memref_slice %arg4[%mul3A_2] : memref<2048xi32, #tpu.memory_space<hbm>> -> memref<64xi32, #tpu.memory_space<hbm>>
      tpu.enqueue_dma source(%dma_start3A_3 : memref<64xi32, #tpu.memory_space<hbm>>) target(%arg7 : memref<64xi32, #tpu.memory_space<vmem>>) target_semaphore(%run_scoped3A : memref<!tpu.dma_semaphore, #tpu.memory_space<semaphore_mem>>)
      %dma_wait3A = tpu.memref_slice %arg4[%mul3A_2] : memref<2048xi32, #tpu.memory_space<hbm>> -> memref<64xi32, #tpu.memory_space<hbm>>
      %dma_wait3A_4 = tpu.memref_slice %arg4[%mul3A_2] : memref<2048xi32, #tpu.memory_space<hbm>> -> memref<64xi32, #tpu.memory_space<hbm>>
      tpu.wait_dma2 semaphore(%run_scoped3A : memref<!tpu.dma_semaphore, #tpu.memory_space<semaphore_mem>>) src(%dma_wait3A_4 : memref<64xi32, #tpu.memory_space<hbm>>) dst(%arg7 : memref<64xi32, #tpu.memory_space<vmem>>)
      tpu.yield
    }) : () -> ()
    "tpu.region"() ({
      %run_scoped3A = tpu.sem_alloc : memref<!tpu.dma_semaphore, #tpu.memory_space<semaphore_mem>>
      %dma_start3A = arith.constant 0 : i32
      %dma_start3A_3 = tpu.memref_slice %arg2[%mul3A_2, %dma_start3A] : memref<2048x768xf32, #tpu.memory_space<hbm>> -> memref<64x768xf32, #tpu.memory_space<hbm>>
      %dma_start3A_4 = arith.constant 0 : i32
      %dma_start3A_5 = tpu.memref_slice %arg2[%mul3A_2, %dma_start3A_4] : memref<2048x768xf32, #tpu.memory_space<hbm>> -> memref<64x768xf32, #tpu.memory_space<hbm>>
      tpu.enqueue_dma source(%dma_start3A_5 : memref<64x768xf32, #tpu.memory_space<hbm>>) target(%arg8 : memref<64x768xf32, #tpu.memory_space<vmem>>) target_semaphore(%run_scoped3A : memref<!tpu.dma_semaphore, #tpu.memory_space<semaphore_mem>>)
      %dma_wait3A = arith.constant 0 : i32
      %dma_wait3A_6 = tpu.memref_slice %arg2[%mul3A_2, %dma_wait3A] : memref<2048x768xf32, #tpu.memory_space<hbm>> -> memref<64x768xf32, #tpu.memory_space<hbm>>
      %dma_wait3A_7 = arith.constant 0 : i32
      %dma_wait3A_8 = tpu.memref_slice %arg2[%mul3A_2, %dma_wait3A_7] : memref<2048x768xf32, #tpu.memory_space<hbm>> -> memref<64x768xf32, #tpu.memory_space<hbm>>
      tpu.wait_dma2 semaphore(%run_scoped3A : memref<!tpu.dma_semaphore, #tpu.memory_space<semaphore_mem>>) src(%dma_wait3A_8 : memref<64x768xf32, #tpu.memory_space<hbm>>) dst(%arg8 : memref<64x768xf32, #tpu.memory_space<vmem>>)
      tpu.yield
    }) : () -> ()
    "tpu.region"() ({
      %run_scoped3A = tpu.sem_alloc : memref<!tpu.dma_semaphore, #tpu.memory_space<semaphore_mem>>
      %dma_start3A = arith.constant 0 : i32
      %dma_start3A_3 = arith.constant 0 : i32
      %dma_start3A_4 = tpu.memref_slice %arg5[%dma_start3A, %dma_start3A_3] : memref<6144x768xf32, #tpu.memory_space<hbm>> -> memref<6144x768xf32, #tpu.memory_space<hbm>>
      tpu.enqueue_indirect_dma source(%arg8 : memref<64x768xf32, #tpu.memory_space<vmem>>) target(%dma_start3A_4 : memref<6144x768xf32, #tpu.memory_space<hbm>>) offsets(%arg6 : memref<64xi32, #tpu.memory_space<vmem>>) semaphore(%run_scoped3A : memref<!tpu.dma_semaphore, #tpu.memory_space<semaphore_mem>>)
      %dma_wait3A = arith.constant 0 : i32
      %dma_wait3A_5 = arith.constant 0 : i32
      %dma_wait3A_6 = tpu.memref_slice %arg5[%dma_wait3A, %dma_wait3A_5] : memref<6144x768xf32, #tpu.memory_space<hbm>> -> memref<6144x768xf32, #tpu.memory_space<hbm>>
      tpu.wait_indirect_dma semaphore(%run_scoped3A : memref<!tpu.dma_semaphore, #tpu.memory_space<semaphore_mem>>) src(%arg8 : memref<64x768xf32, #tpu.memory_space<vmem>>) dst(%dma_wait3A_6 : memref<6144x768xf32, #tpu.memory_space<hbm>>)
      tpu.yield
    }) : () -> ()
    "tpu.region"() ({
      %run_scoped3A = tpu.sem_alloc : memref<!tpu.dma_semaphore, #tpu.memory_space<semaphore_mem>>
      %dma_start3A = arith.constant 0 : i32
      %dma_start3A_3 = arith.constant 0 : i32
      %dma_start3A_4 = tpu.memref_slice %arg5[%dma_start3A, %dma_start3A_3] : memref<6144x768xf32, #tpu.memory_space<hbm>> -> memref<6144x768xf32, #tpu.memory_space<hbm>>
      tpu.enqueue_indirect_dma source(%arg8 : memref<64x768xf32, #tpu.memory_space<vmem>>) target(%dma_start3A_4 : memref<6144x768xf32, #tpu.memory_space<hbm>>) offsets(%arg7 : memref<64xi32, #tpu.memory_space<vmem>>) semaphore(%run_scoped3A : memref<!tpu.dma_semaphore, #tpu.memory_space<semaphore_mem>>)
      %dma_wait3A = arith.constant 0 : i32
      %dma_wait3A_5 = arith.constant 0 : i32
      %dma_wait3A_6 = tpu.memref_slice %arg5[%dma_wait3A, %dma_wait3A_5] : memref<6144x768xf32, #tpu.memory_space<hbm>> -> memref<6144x768xf32, #tpu.memory_space<hbm>>
      tpu.wait_indirect_dma semaphore(%run_scoped3A : memref<!tpu.dma_semaphore, #tpu.memory_space<semaphore_mem>>) src(%arg8 : memref<64x768xf32, #tpu.memory_space<vmem>>) dst(%dma_wait3A_6 : memref<6144x768xf32, #tpu.memory_space<hbm>>)
      tpu.yield
    }) : () -> ()
    return
  }
}

#map = affine_map<(d0, d1) -> (0, 0)>
#map1 = affine_map<(d0, d1) -> (0)>
#map2 = affine_map<(d0, d1) -> (0, 0, 0)>
module attributes {stable_mosaic.version = 14 : i64} {
  func.func @sc_gather_pairs(%arg0: i32, %arg1: i32, %arg2: memref<6144x768xf32, #tpu.memory_space<hbm>>, %arg3: memref<2048xi32, #tpu.memory_space<hbm>>, %arg4: memref<2048xi32, #tpu.memory_space<hbm>>, %arg5: memref<2x2048x768xf32, #tpu.memory_space<hbm>>, %arg6: memref<64xi32, #tpu.memory_space<vmem>>, %arg7: memref<64x768xf32, #tpu.memory_space<vmem>>, %arg8: memref<!tpu.dma_semaphore, #tpu.memory_space<semaphore_mem>>) attributes {dimension_semantics = [#tpu.dimension_semantics<core_parallel>, #tpu.dimension_semantics<subcore_parallel>], iteration_bounds = array<i64: 2, 16>, scalar_prefetch = 0 : i64, scratch_operands = 3 : i64, tpu.core_type = #tpu.core_type<sc_vector_subcore>, window_params = [{transform_indices = #map}, {transform_indices = #map1}, {transform_indices = #map1}, {transform_indices = #map2}]} {
    %mul3A = arith.constant 2 : i32
    %mul3A_0 = arith.muli %arg1, %mul3A : i32
    %add3A = arith.addi %mul3A_0, %arg0 : i32
    %mul3A_1 = arith.constant 64 : i32
    %mul3A_2 = arith.muli %add3A, %mul3A_1 : i32
    "tpu.region"() ({
      %run_scoped3A_14 = tpu.sem_alloc : memref<!tpu.dma_semaphore, #tpu.memory_space<semaphore_mem>>
      %dma_start3A_15 = tpu.memref_slice %arg3[%mul3A_2] : memref<2048xi32, #tpu.memory_space<hbm>> -> memref<64xi32, #tpu.memory_space<hbm>>
      %dma_start3A_16 = tpu.memref_slice %arg3[%mul3A_2] : memref<2048xi32, #tpu.memory_space<hbm>> -> memref<64xi32, #tpu.memory_space<hbm>>
      tpu.enqueue_dma source(%dma_start3A_16 : memref<64xi32, #tpu.memory_space<hbm>>) target(%arg6 : memref<64xi32, #tpu.memory_space<vmem>>) target_semaphore(%run_scoped3A_14 : memref<!tpu.dma_semaphore, #tpu.memory_space<semaphore_mem>>)
      %dma_wait3A_17 = tpu.memref_slice %arg3[%mul3A_2] : memref<2048xi32, #tpu.memory_space<hbm>> -> memref<64xi32, #tpu.memory_space<hbm>>
      %dma_wait3A_18 = tpu.memref_slice %arg3[%mul3A_2] : memref<2048xi32, #tpu.memory_space<hbm>> -> memref<64xi32, #tpu.memory_space<hbm>>
      tpu.wait_dma2 semaphore(%run_scoped3A_14 : memref<!tpu.dma_semaphore, #tpu.memory_space<semaphore_mem>>) src(%dma_wait3A_18 : memref<64xi32, #tpu.memory_space<hbm>>) dst(%arg6 : memref<64xi32, #tpu.memory_space<vmem>>)
      tpu.yield
    }) : () -> ()
    %dma_start3A = arith.constant 0 : i32
    %dma_start3A_3 = arith.constant 0 : i32
    %dma_start3A_4 = tpu.memref_slice %arg2[%dma_start3A, %dma_start3A_3] : memref<6144x768xf32, #tpu.memory_space<hbm>> -> memref<6144x768xf32, #tpu.memory_space<hbm>>
    tpu.enqueue_indirect_dma source(%dma_start3A_4 : memref<6144x768xf32, #tpu.memory_space<hbm>>) target(%arg7 : memref<64x768xf32, #tpu.memory_space<vmem>>) offsets(%arg6 : memref<64xi32, #tpu.memory_space<vmem>>) semaphore(%arg8 : memref<!tpu.dma_semaphore, #tpu.memory_space<semaphore_mem>>)
    %dma_wait3A = arith.constant 0 : i32
    %dma_wait3A_5 = arith.constant 0 : i32
    %dma_wait3A_6 = tpu.memref_slice %arg2[%dma_wait3A, %dma_wait3A_5] : memref<6144x768xf32, #tpu.memory_space<hbm>> -> memref<6144x768xf32, #tpu.memory_space<hbm>>
    tpu.wait_indirect_dma semaphore(%arg8 : memref<!tpu.dma_semaphore, #tpu.memory_space<semaphore_mem>>) src(%dma_wait3A_6 : memref<6144x768xf32, #tpu.memory_space<hbm>>) dst(%arg7 : memref<64x768xf32, #tpu.memory_space<vmem>>)
    %run_scoped3A = arith.constant 0 : i32
    "tpu.region"() ({
      %run_scoped3A_14 = tpu.sem_alloc : memref<!tpu.dma_semaphore, #tpu.memory_space<semaphore_mem>>
      %dma_start3A_15 = arith.constant 0 : i32
      %dma_start3A_16 = arith.constant 0 : i32
      %dma_start3A_17 = tpu.memref_slice %arg5[%run_scoped3A, %dma_start3A_15, %dma_start3A_16] : memref<2x2048x768xf32, #tpu.memory_space<hbm>> -> memref<1x2048x768xf32, #tpu.memory_space<hbm>>
      %dma_start3A_18 = tpu.memref_squeeze %dma_start3A_17 : memref<1x2048x768xf32, #tpu.memory_space<hbm>> -> memref<2048x768xf32, #tpu.memory_space<hbm>>
      %dma_start3A_19 = arith.constant 0 : i32
      %dma_start3A_20 = tpu.memref_slice %dma_start3A_18[%mul3A_2, %dma_start3A_19] : memref<2048x768xf32, #tpu.memory_space<hbm>> -> memref<64x768xf32, #tpu.memory_space<hbm>>
      %dma_start3A_21 = arith.constant 0 : i32
      %dma_start3A_22 = arith.constant 0 : i32
      %dma_start3A_23 = tpu.memref_slice %arg5[%run_scoped3A, %dma_start3A_21, %dma_start3A_22] : memref<2x2048x768xf32, #tpu.memory_space<hbm>> -> memref<1x2048x768xf32, #tpu.memory_space<hbm>>
      %dma_start3A_24 = tpu.memref_squeeze %dma_start3A_23 : memref<1x2048x768xf32, #tpu.memory_space<hbm>> -> memref<2048x768xf32, #tpu.memory_space<hbm>>
      %dma_start3A_25 = arith.constant 0 : i32
      %dma_start3A_26 = tpu.memref_slice %dma_start3A_24[%mul3A_2, %dma_start3A_25] : memref<2048x768xf32, #tpu.memory_space<hbm>> -> memref<64x768xf32, #tpu.memory_space<hbm>>
      tpu.enqueue_dma source(%arg7 : memref<64x768xf32, #tpu.memory_space<vmem>>) target(%dma_start3A_26 : memref<64x768xf32, #tpu.memory_space<hbm>>) target_semaphore(%run_scoped3A_14 : memref<!tpu.dma_semaphore, #tpu.memory_space<semaphore_mem>>)
      %dma_wait3A_27 = arith.constant 0 : i32
      %dma_wait3A_28 = arith.constant 0 : i32
      %dma_wait3A_29 = tpu.memref_slice %arg5[%run_scoped3A, %dma_wait3A_27, %dma_wait3A_28] : memref<2x2048x768xf32, #tpu.memory_space<hbm>> -> memref<1x2048x768xf32, #tpu.memory_space<hbm>>
      %dma_wait3A_30 = tpu.memref_squeeze %dma_wait3A_29 : memref<1x2048x768xf32, #tpu.memory_space<hbm>> -> memref<2048x768xf32, #tpu.memory_space<hbm>>
      %dma_wait3A_31 = arith.constant 0 : i32
      %dma_wait3A_32 = tpu.memref_slice %dma_wait3A_30[%mul3A_2, %dma_wait3A_31] : memref<2048x768xf32, #tpu.memory_space<hbm>> -> memref<64x768xf32, #tpu.memory_space<hbm>>
      %dma_wait3A_33 = arith.constant 0 : i32
      %dma_wait3A_34 = arith.constant 0 : i32
      %dma_wait3A_35 = tpu.memref_slice %arg5[%run_scoped3A, %dma_wait3A_33, %dma_wait3A_34] : memref<2x2048x768xf32, #tpu.memory_space<hbm>> -> memref<1x2048x768xf32, #tpu.memory_space<hbm>>
      %dma_wait3A_36 = tpu.memref_squeeze %dma_wait3A_35 : memref<1x2048x768xf32, #tpu.memory_space<hbm>> -> memref<2048x768xf32, #tpu.memory_space<hbm>>
      %dma_wait3A_37 = arith.constant 0 : i32
      %dma_wait3A_38 = tpu.memref_slice %dma_wait3A_36[%mul3A_2, %dma_wait3A_37] : memref<2048x768xf32, #tpu.memory_space<hbm>> -> memref<64x768xf32, #tpu.memory_space<hbm>>
      tpu.wait_dma2 semaphore(%run_scoped3A_14 : memref<!tpu.dma_semaphore, #tpu.memory_space<semaphore_mem>>) src(%arg7 : memref<64x768xf32, #tpu.memory_space<vmem>>) dst(%dma_wait3A_38 : memref<64x768xf32, #tpu.memory_space<hbm>>)
      tpu.yield
    }) : () -> ()
    "tpu.region"() ({
      %run_scoped3A_14 = tpu.sem_alloc : memref<!tpu.dma_semaphore, #tpu.memory_space<semaphore_mem>>
      %dma_start3A_15 = tpu.memref_slice %arg4[%mul3A_2] : memref<2048xi32, #tpu.memory_space<hbm>> -> memref<64xi32, #tpu.memory_space<hbm>>
      %dma_start3A_16 = tpu.memref_slice %arg4[%mul3A_2] : memref<2048xi32, #tpu.memory_space<hbm>> -> memref<64xi32, #tpu.memory_space<hbm>>
      tpu.enqueue_dma source(%dma_start3A_16 : memref<64xi32, #tpu.memory_space<hbm>>) target(%arg6 : memref<64xi32, #tpu.memory_space<vmem>>) target_semaphore(%run_scoped3A_14 : memref<!tpu.dma_semaphore, #tpu.memory_space<semaphore_mem>>)
      %dma_wait3A_17 = tpu.memref_slice %arg4[%mul3A_2] : memref<2048xi32, #tpu.memory_space<hbm>> -> memref<64xi32, #tpu.memory_space<hbm>>
      %dma_wait3A_18 = tpu.memref_slice %arg4[%mul3A_2] : memref<2048xi32, #tpu.memory_space<hbm>> -> memref<64xi32, #tpu.memory_space<hbm>>
      tpu.wait_dma2 semaphore(%run_scoped3A_14 : memref<!tpu.dma_semaphore, #tpu.memory_space<semaphore_mem>>) src(%dma_wait3A_18 : memref<64xi32, #tpu.memory_space<hbm>>) dst(%arg6 : memref<64xi32, #tpu.memory_space<vmem>>)
      tpu.yield
    }) : () -> ()
    %dma_start3A_7 = arith.constant 0 : i32
    %dma_start3A_8 = arith.constant 0 : i32
    %dma_start3A_9 = tpu.memref_slice %arg2[%dma_start3A_7, %dma_start3A_8] : memref<6144x768xf32, #tpu.memory_space<hbm>> -> memref<6144x768xf32, #tpu.memory_space<hbm>>
    tpu.enqueue_indirect_dma source(%dma_start3A_9 : memref<6144x768xf32, #tpu.memory_space<hbm>>) target(%arg7 : memref<64x768xf32, #tpu.memory_space<vmem>>) offsets(%arg6 : memref<64xi32, #tpu.memory_space<vmem>>) semaphore(%arg8 : memref<!tpu.dma_semaphore, #tpu.memory_space<semaphore_mem>>)
    %dma_wait3A_10 = arith.constant 0 : i32
    %dma_wait3A_11 = arith.constant 0 : i32
    %dma_wait3A_12 = tpu.memref_slice %arg2[%dma_wait3A_10, %dma_wait3A_11] : memref<6144x768xf32, #tpu.memory_space<hbm>> -> memref<6144x768xf32, #tpu.memory_space<hbm>>
    tpu.wait_indirect_dma semaphore(%arg8 : memref<!tpu.dma_semaphore, #tpu.memory_space<semaphore_mem>>) src(%dma_wait3A_12 : memref<6144x768xf32, #tpu.memory_space<hbm>>) dst(%arg7 : memref<64x768xf32, #tpu.memory_space<vmem>>)
    %run_scoped3A_13 = arith.constant 1 : i32
    "tpu.region"() ({
      %run_scoped3A_14 = tpu.sem_alloc : memref<!tpu.dma_semaphore, #tpu.memory_space<semaphore_mem>>
      %dma_start3A_15 = arith.constant 0 : i32
      %dma_start3A_16 = arith.constant 0 : i32
      %dma_start3A_17 = tpu.memref_slice %arg5[%run_scoped3A_13, %dma_start3A_15, %dma_start3A_16] : memref<2x2048x768xf32, #tpu.memory_space<hbm>> -> memref<1x2048x768xf32, #tpu.memory_space<hbm>>
      %dma_start3A_18 = tpu.memref_squeeze %dma_start3A_17 : memref<1x2048x768xf32, #tpu.memory_space<hbm>> -> memref<2048x768xf32, #tpu.memory_space<hbm>>
      %dma_start3A_19 = arith.constant 0 : i32
      %dma_start3A_20 = tpu.memref_slice %dma_start3A_18[%mul3A_2, %dma_start3A_19] : memref<2048x768xf32, #tpu.memory_space<hbm>> -> memref<64x768xf32, #tpu.memory_space<hbm>>
      %dma_start3A_21 = arith.constant 0 : i32
      %dma_start3A_22 = arith.constant 0 : i32
      %dma_start3A_23 = tpu.memref_slice %arg5[%run_scoped3A_13, %dma_start3A_21, %dma_start3A_22] : memref<2x2048x768xf32, #tpu.memory_space<hbm>> -> memref<1x2048x768xf32, #tpu.memory_space<hbm>>
      %dma_start3A_24 = tpu.memref_squeeze %dma_start3A_23 : memref<1x2048x768xf32, #tpu.memory_space<hbm>> -> memref<2048x768xf32, #tpu.memory_space<hbm>>
      %dma_start3A_25 = arith.constant 0 : i32
      %dma_start3A_26 = tpu.memref_slice %dma_start3A_24[%mul3A_2, %dma_start3A_25] : memref<2048x768xf32, #tpu.memory_space<hbm>> -> memref<64x768xf32, #tpu.memory_space<hbm>>
      tpu.enqueue_dma source(%arg7 : memref<64x768xf32, #tpu.memory_space<vmem>>) target(%dma_start3A_26 : memref<64x768xf32, #tpu.memory_space<hbm>>) target_semaphore(%run_scoped3A_14 : memref<!tpu.dma_semaphore, #tpu.memory_space<semaphore_mem>>)
      %dma_wait3A_27 = arith.constant 0 : i32
      %dma_wait3A_28 = arith.constant 0 : i32
      %dma_wait3A_29 = tpu.memref_slice %arg5[%run_scoped3A_13, %dma_wait3A_27, %dma_wait3A_28] : memref<2x2048x768xf32, #tpu.memory_space<hbm>> -> memref<1x2048x768xf32, #tpu.memory_space<hbm>>
      %dma_wait3A_30 = tpu.memref_squeeze %dma_wait3A_29 : memref<1x2048x768xf32, #tpu.memory_space<hbm>> -> memref<2048x768xf32, #tpu.memory_space<hbm>>
      %dma_wait3A_31 = arith.constant 0 : i32
      %dma_wait3A_32 = tpu.memref_slice %dma_wait3A_30[%mul3A_2, %dma_wait3A_31] : memref<2048x768xf32, #tpu.memory_space<hbm>> -> memref<64x768xf32, #tpu.memory_space<hbm>>
      %dma_wait3A_33 = arith.constant 0 : i32
      %dma_wait3A_34 = arith.constant 0 : i32
      %dma_wait3A_35 = tpu.memref_slice %arg5[%run_scoped3A_13, %dma_wait3A_33, %dma_wait3A_34] : memref<2x2048x768xf32, #tpu.memory_space<hbm>> -> memref<1x2048x768xf32, #tpu.memory_space<hbm>>
      %dma_wait3A_36 = tpu.memref_squeeze %dma_wait3A_35 : memref<1x2048x768xf32, #tpu.memory_space<hbm>> -> memref<2048x768xf32, #tpu.memory_space<hbm>>
      %dma_wait3A_37 = arith.constant 0 : i32
      %dma_wait3A_38 = tpu.memref_slice %dma_wait3A_36[%mul3A_2, %dma_wait3A_37] : memref<2048x768xf32, #tpu.memory_space<hbm>> -> memref<64x768xf32, #tpu.memory_space<hbm>>
      tpu.wait_dma2 semaphore(%run_scoped3A_14 : memref<!tpu.dma_semaphore, #tpu.memory_space<semaphore_mem>>) src(%arg7 : memref<64x768xf32, #tpu.memory_space<vmem>>) dst(%dma_wait3A_38 : memref<64x768xf32, #tpu.memory_space<hbm>>)
      tpu.yield
    }) : () -> ()
    return
  }
}

module attributes {stable_mosaic.version = 14 : i64} {
  func.func @_router_kernel(%arg0: i32, %arg1: memref<2048x8xf32, #tpu.memory_space<vmem>>, %arg2: memref<2048x1xf32, #tpu.memory_space<vmem>>, %arg3: memref<2048x1xf32, #tpu.memory_space<vmem>>, %arg4: memref<2048x1xi32, #tpu.memory_space<vmem>>, %arg5: memref<2048x1xi32, #tpu.memory_space<vmem>>, %arg6: memref<8x128xi32, #tpu.memory_space<vmem>>) attributes {dimension_semantics = [#tpu.dimension_semantics<arbitrary>], iteration_bounds = array<i64: 1>, scalar_prefetch = 0 : i64, scratch_operands = 0 : i64, tpu.core_type = #tpu.core_type<tc>, window_params = [{pipeline_mode = #tpu.pipeline_mode<synchronous>, transform_indices = @transform_0, window_bounds = array<i64: 2048, 8>}, {pipeline_mode = #tpu.pipeline_mode<synchronous>, transform_indices = @transform_1, window_bounds = array<i64: 2048, 1>}, {pipeline_mode = #tpu.pipeline_mode<synchronous>, transform_indices = @transform_2, window_bounds = array<i64: 2048, 1>}, {pipeline_mode = #tpu.pipeline_mode<synchronous>, transform_indices = @transform_3, window_bounds = array<i64: 2048, 1>}, {pipeline_mode = #tpu.pipeline_mode<synchronous>, transform_indices = @transform_4, window_bounds = array<i64: 2048, 1>}, {pipeline_mode = #tpu.pipeline_mode<synchronous>, transform_indices = @transform_5, window_bounds = array<i64: 8, 128>}]} {
    %get3A = arith.constant 0 : index
    %get3A_0 = arith.constant 0 : index
    %get3A_1 = vector.load %arg1[%get3A, %get3A_0] : memref<2048x8xf32, #tpu.memory_space<vmem>>, vector<2048x8xf32>
    %reduce_max3A = arith.constant dense<0xFF800000> : vector<2048xf32>
    %reduce_max3A_2 = vector.multi_reduction <maximumf>, %get3A_1, %reduce_max3A [1] : vector<2048x8xf32> to vector<2048xf32>
    %broadcast_in_dim3A = vector.shape_cast %reduce_max3A_2 : vector<2048xf32> to vector<2048x1xf32>
    %sub3A = vector.broadcast %broadcast_in_dim3A : vector<2048x1xf32> to vector<2048x8xf32>
    %sub3A_3 = arith.subf %get3A_1, %sub3A : vector<2048x8xf32>
    %exp3A = math.exp %sub3A_3 : vector<2048x8xf32>
    %reduce_sum3A = arith.constant dense<0.000000e+00> : vector<2048xf32>
    %reduce_sum3A_4 = vector.multi_reduction <add>, %exp3A, %reduce_sum3A [1] : vector<2048x8xf32> to vector<2048xf32>
    %broadcast_in_dim3A_5 = vector.shape_cast %reduce_sum3A_4 : vector<2048xf32> to vector<2048x1xf32>
    %div3A = vector.broadcast %broadcast_in_dim3A_5 : vector<2048x1xf32> to vector<2048x8xf32>
    %div3A_6 = arith.divf %exp3A, %div3A : vector<2048x8xf32>
    %iota3A = tpu.iota {dimensions = array<i32: 1>} : vector<2048x8xi32>
    %reduce_max3A_7 = arith.constant dense<0xFF800000> : vector<2048xf32>
    %reduce_max3A_8 = vector.multi_reduction <maximumf>, %div3A_6, %reduce_max3A_7 [1] : vector<2048x8xf32> to vector<2048xf32>
    %broadcast_in_dim3A_9 = vector.shape_cast %reduce_max3A_8 : vector<2048xf32> to vector<2048x1xf32>
    %eq3A = vector.broadcast %broadcast_in_dim3A_9 : vector<2048x1xf32> to vector<2048x8xf32>
    %eq3A_10 = arith.cmpf oeq, %div3A_6, %eq3A : vector<2048x8xf32>
    %jit3A = arith.constant 8 : i32
    %broadcast_in_dim3A_11 = vector.broadcast %jit3A : i32 to vector<2048x8xi32>
    %select_n3A = arith.select %eq3A_10, %iota3A, %broadcast_in_dim3A_11 : vector<2048x8xi1>, vector<2048x8xi32>
    %reduce_min3A = arith.constant dense<2147483647> : vector<2048xi32>
    %reduce_min3A_12 = vector.multi_reduction <minsi>, %select_n3A, %reduce_min3A [1] : vector<2048x8xi32> to vector<2048xi32>
    %broadcast_in_dim3A_13 = vector.shape_cast %reduce_min3A_12 : vector<2048xi32> to vector<2048x1xi32>
    %eq3A_14 = vector.broadcast %broadcast_in_dim3A_13 : vector<2048x1xi32> to vector<2048x8xi32>
    %eq3A_15 = arith.cmpi eq, %iota3A, %eq3A_14 : vector<2048x8xi32>
    %jit3A_16 = arith.constant -1.000000e+00 : f32
    %broadcast_in_dim3A_17 = vector.broadcast %jit3A_16 : f32 to vector<2048x8xf32>
    %select_n3A_18 = arith.select %eq3A_15, %broadcast_in_dim3A_17, %div3A_6 : vector<2048x8xi1>, vector<2048x8xf32>
    %reduce_max3A_19 = arith.constant dense<0xFF800000> : vector<2048xf32>
    %reduce_max3A_20 = vector.multi_reduction <maximumf>, %select_n3A_18, %reduce_max3A_19 [1] : vector<2048x8xf32> to vector<2048xf32>
    %broadcast_in_dim3A_21 = vector.shape_cast %reduce_max3A_20 : vector<2048xf32> to vector<2048x1xf32>
    %eq3A_22 = vector.broadcast %broadcast_in_dim3A_21 : vector<2048x1xf32> to vector<2048x8xf32>
    %eq3A_23 = arith.cmpf oeq, %select_n3A_18, %eq3A_22 : vector<2048x8xf32>
    %jit3A_24 = arith.constant 8 : i32
    %broadcast_in_dim3A_25 = vector.broadcast %jit3A_24 : i32 to vector<2048x8xi32>
    %select_n3A_26 = arith.select %eq3A_23, %iota3A, %broadcast_in_dim3A_25 : vector<2048x8xi1>, vector<2048x8xi32>
    %reduce_min3A_27 = arith.constant dense<2147483647> : vector<2048xi32>
    %reduce_min3A_28 = vector.multi_reduction <minsi>, %select_n3A_26, %reduce_min3A_27 [1] : vector<2048x8xi32> to vector<2048xi32>
    %broadcast_in_dim3A_29 = vector.shape_cast %reduce_min3A_28 : vector<2048xi32> to vector<2048x1xi32>
    %add3A = arith.addf %broadcast_in_dim3A_9, %broadcast_in_dim3A_21 : vector<2048x1xf32>
    %div3A_30 = arith.divf %broadcast_in_dim3A_9, %add3A : vector<2048x1xf32>
    %swap3A = arith.constant 0 : index
    %swap3A_31 = arith.constant 0 : index
    %swap3A_32 = vector.load %arg2[%swap3A, %swap3A_31] : memref<2048x1xf32, #tpu.memory_space<vmem>>, vector<2048x1xf32>
    tpu.vector_store %arg2[%swap3A, %swap3A_31], %div3A_30 {strides = array<i32>} : memref<2048x1xf32, #tpu.memory_space<vmem>>, vector<2048x1xf32>,
    %div3A_33 = arith.divf %broadcast_in_dim3A_21, %add3A : vector<2048x1xf32>
    %swap3A_34 = arith.constant 0 : index
    %swap3A_35 = arith.constant 0 : index
    %swap3A_36 = vector.load %arg3[%swap3A_34, %swap3A_35] : memref<2048x1xf32, #tpu.memory_space<vmem>>, vector<2048x1xf32>
    tpu.vector_store %arg3[%swap3A_34, %swap3A_35], %div3A_33 {strides = array<i32>} : memref<2048x1xf32, #tpu.memory_space<vmem>>, vector<2048x1xf32>,
    %eq3A_37 = vector.broadcast %broadcast_in_dim3A_13 : vector<2048x1xi32> to vector<2048x8xi32>
    %eq3A_38 = arith.cmpi eq, %iota3A, %eq3A_37 : vector<2048x8xi32>
    %convert_element_type3A = arith.extui %eq3A_38 : vector<2048x8xi1> to vector<2048x8xi32>
    %convert_element_type3A_39 = arith.sitofp %convert_element_type3A : vector<2048x8xi32> to vector<2048x8xf32>
    %eq3A_40 = vector.broadcast %broadcast_in_dim3A_29 : vector<2048x1xi32> to vector<2048x8xi32>
    %eq3A_41 = arith.cmpi eq, %iota3A, %eq3A_40 : vector<2048x8xi32>
    %convert_element_type3A_42 = arith.extui %eq3A_41 : vector<2048x8xi1> to vector<2048x8xi32>
    %convert_element_type3A_43 = arith.sitofp %convert_element_type3A_42 : vector<2048x8xi32> to vector<2048x8xf32>
    %iota3A_44 = tpu.iota {dimensions = array<i32: 0>} : vector<512x512xi32>
    %iota3A_45 = tpu.iota {dimensions = array<i32: 1>} : vector<512x512xi32>
    %gt3A = arith.cmpi sgt, %iota3A_44, %iota3A_45 : vector<512x512xi32>
    %convert_element_type3A_46 = arith.extui %gt3A : vector<512x512xi1> to vector<512x512xi32>
    %convert_element_type3A_47 = arith.sitofp %convert_element_type3A_46 : vector<512x512xi32> to vector<512x512xf32>
    %broadcast_in_dim3A_48 = arith.constant 0.000000e+00 : f32
    %broadcast_in_dim3A_49 = vector.broadcast %broadcast_in_dim3A_48 : f32 to vector<1x8xf32>
    %slice3A = vector.extract_strided_slice %convert_element_type3A_39 {offsets = [0, 0], sizes = [512, 8], strides = [1, 1]} : vector<2048x8xf32> to vector<512x8xf32>
    %dot_general3A = arith.constant dense<0.000000e+00> : vector<512x8xf32>
    %dot_general3A_50 = tpu.matmul %convert_element_type3A_47, %slice3A, %dot_general3A {dimension_numbers = #tpu.dot_dimension_numbers<[1], [0], [0], [1], [0, 0, 1, 1], [], []>, transpose_lhs_hint = false} : vector<512x512xf32>, vector<512x8xf32>, vector<512x8xf32> -> vector<512x8xf32>
    %add3A_51 = vector.broadcast %broadcast_in_dim3A_49 : vector<1x8xf32> to vector<512x8xf32>
    %add3A_52 = arith.addf %dot_general3A_50, %add3A_51 : vector<512x8xf32>
    %mul3A = arith.mulf %add3A_52, %slice3A : vector<512x8xf32>
    %reduce_sum3A_53 = arith.constant dense<0.000000e+00> : vector<512xf32>
    %reduce_sum3A_54 = vector.multi_reduction <add>, %mul3A, %reduce_sum3A_53 [1] : vector<512x8xf32> to vector<512xf32>
    %broadcast_in_dim3A_55 = vector.shape_cast %reduce_sum3A_54 : vector<512xf32> to vector<512x1xf32>
    %reduce_sum3A_56 = arith.constant dense<0.000000e+00> : vector<8xf32>
    %reduce_sum3A_57 = vector.multi_reduction <add>, %slice3A, %reduce_sum3A_56 [0] : vector<512x8xf32> to vector<8xf32>
    %broadcast_in_dim3A_58 = vector.shape_cast %reduce_sum3A_57 : vector<8xf32> to vector<1x8xf32>
    %add3A_59 = arith.addf %broadcast_in_dim3A_49, %broadcast_in_dim3A_58 : vector<1x8xf32>
    %slice3A_60 = vector.extract_strided_slice %convert_element_type3A_39 {offsets = [512, 0], sizes = [512, 8], strides = [1, 1]} : vector<2048x8xf32> to vector<512x8xf32>
    %dot_general3A_61 = arith.constant dense<0.000000e+00> : vector<512x8xf32>
    %dot_general3A_62 = tpu.matmul %convert_element_type3A_47, %slice3A_60, %dot_general3A_61 {dimension_numbers = #tpu.dot_dimension_numbers<[1], [0], [0], [1], [0, 0, 1, 1], [], []>, transpose_lhs_hint = false} : vector<512x512xf32>, vector<512x8xf32>, vector<512x8xf32> -> vector<512x8xf32>
    %add3A_63 = vector.broadcast %add3A_59 : vector<1x8xf32> to vector<512x8xf32>
    %add3A_64 = arith.addf %dot_general3A_62, %add3A_63 : vector<512x8xf32>
    %mul3A_65 = arith.mulf %add3A_64, %slice3A_60 : vector<512x8xf32>
    %reduce_sum3A_66 = arith.constant dense<0.000000e+00> : vector<512xf32>
    %reduce_sum3A_67 = vector.multi_reduction <add>, %mul3A_65, %reduce_sum3A_66 [1] : vector<512x8xf32> to vector<512xf32>
    %broadcast_in_dim3A_68 = vector.shape_cast %reduce_sum3A_67 : vector<512xf32> to vector<512x1xf32>
    %reduce_sum3A_69 = arith.constant dense<0.000000e+00> : vector<8xf32>
    %reduce_sum3A_70 = vector.multi_reduction <add>, %slice3A_60, %reduce_sum3A_69 [0] : vector<512x8xf32> to vector<8xf32>
    %broadcast_in_dim3A_71 = vector.shape_cast %reduce_sum3A_70 : vector<8xf32> to vector<1x8xf32>
    %add3A_72 = arith.addf %add3A_59, %broadcast_in_dim3A_71 : vector<1x8xf32>
    %slice3A_73 = vector.extract_strided_slice %convert_element_type3A_39 {offsets = [1024, 0], sizes = [512, 8], strides = [1, 1]} : vector<2048x8xf32> to vector<512x8xf32>
    %dot_general3A_74 = arith.constant dense<0.000000e+00> : vector<512x8xf32>
    %dot_general3A_75 = tpu.matmul %convert_element_type3A_47, %slice3A_73, %dot_general3A_74 {dimension_numbers = #tpu.dot_dimension_numbers<[1], [0], [0], [1], [0, 0, 1, 1], [], []>, transpose_lhs_hint = false} : vector<512x512xf32>, vector<512x8xf32>, vector<512x8xf32> -> vector<512x8xf32>
    %add3A_76 = vector.broadcast %add3A_72 : vector<1x8xf32> to vector<512x8xf32>
    %add3A_77 = arith.addf %dot_general3A_75, %add3A_76 : vector<512x8xf32>
    %mul3A_78 = arith.mulf %add3A_77, %slice3A_73 : vector<512x8xf32>
    %reduce_sum3A_79 = arith.constant dense<0.000000e+00> : vector<512xf32>
    %reduce_sum3A_80 = vector.multi_reduction <add>, %mul3A_78, %reduce_sum3A_79 [1] : vector<512x8xf32> to vector<512xf32>
    %broadcast_in_dim3A_81 = vector.shape_cast %reduce_sum3A_80 : vector<512xf32> to vector<512x1xf32>
    %reduce_sum3A_82 = arith.constant dense<0.000000e+00> : vector<8xf32>
    %reduce_sum3A_83 = vector.multi_reduction <add>, %slice3A_73, %reduce_sum3A_82 [0] : vector<512x8xf32> to vector<8xf32>
    %broadcast_in_dim3A_84 = vector.shape_cast %reduce_sum3A_83 : vector<8xf32> to vector<1x8xf32>
    %add3A_85 = arith.addf %add3A_72, %broadcast_in_dim3A_84 : vector<1x8xf32>
    %slice3A_86 = vector.extract_strided_slice %convert_element_type3A_39 {offsets = [1536, 0], sizes = [512, 8], strides = [1, 1]} : vector<2048x8xf32> to vector<512x8xf32>
    %dot_general3A_87 = arith.constant dense<0.000000e+00> : vector<512x8xf32>
    %dot_general3A_88 = tpu.matmul %convert_element_type3A_47, %slice3A_86, %dot_general3A_87 {dimension_numbers = #tpu.dot_dimension_numbers<[1], [0], [0], [1], [0, 0, 1, 1], [], []>, transpose_lhs_hint = false} : vector<512x512xf32>, vector<512x8xf32>, vector<512x8xf32> -> vector<512x8xf32>
    %add3A_89 = vector.broadcast %add3A_85 : vector<1x8xf32> to vector<512x8xf32>
    %add3A_90 = arith.addf %dot_general3A_88, %add3A_89 : vector<512x8xf32>
    %mul3A_91 = arith.mulf %add3A_90, %slice3A_86 : vector<512x8xf32>
    %reduce_sum3A_92 = arith.constant dense<0.000000e+00> : vector<512xf32>
    %reduce_sum3A_93 = vector.multi_reduction <add>, %mul3A_91, %reduce_sum3A_92 [1] : vector<512x8xf32> to vector<512xf32>
    %broadcast_in_dim3A_94 = vector.shape_cast %reduce_sum3A_93 : vector<512xf32> to vector<512x1xf32>
    %reduce_sum3A_95 = arith.constant dense<0.000000e+00> : vector<8xf32>
    %reduce_sum3A_96 = vector.multi_reduction <add>, %slice3A_86, %reduce_sum3A_95 [0] : vector<512x8xf32> to vector<8xf32>
    %broadcast_in_dim3A_97 = vector.shape_cast %reduce_sum3A_96 : vector<8xf32> to vector<1x8xf32>
    %add3A_98 = arith.addf %add3A_85, %broadcast_in_dim3A_97 : vector<1x8xf32>
    %slice3A_99 = vector.extract_strided_slice %convert_element_type3A_43 {offsets = [0, 0], sizes = [512, 8], strides = [1, 1]} : vector<2048x8xf32> to vector<512x8xf32>
    %dot_general3A_100 = arith.constant dense<0.000000e+00> : vector<512x8xf32>
    %dot_general3A_101 = tpu.matmul %convert_element_type3A_47, %slice3A_99, %dot_general3A_100 {dimension_numbers = #tpu.dot_dimension_numbers<[1], [0], [0], [1], [0, 0, 1, 1], [], []>, transpose_lhs_hint = false} : vector<512x512xf32>, vector<512x8xf32>, vector<512x8xf32> -> vector<512x8xf32>
    %add3A_102 = vector.broadcast %add3A_98 : vector<1x8xf32> to vector<512x8xf32>
    %add3A_103 = arith.addf %dot_general3A_101, %add3A_102 : vector<512x8xf32>
    %mul3A_104 = arith.mulf %add3A_103, %slice3A_99 : vector<512x8xf32>
    %reduce_sum3A_105 = arith.constant dense<0.000000e+00> : vector<512xf32>
    %reduce_sum3A_106 = vector.multi_reduction <add>, %mul3A_104, %reduce_sum3A_105 [1] : vector<512x8xf32> to vector<512xf32>
    %broadcast_in_dim3A_107 = vector.shape_cast %reduce_sum3A_106 : vector<512xf32> to vector<512x1xf32>
    %reduce_sum3A_108 = arith.constant dense<0.000000e+00> : vector<8xf32>
    %reduce_sum3A_109 = vector.multi_reduction <add>, %slice3A_99, %reduce_sum3A_108 [0] : vector<512x8xf32> to vector<8xf32>
    %broadcast_in_dim3A_110 = vector.shape_cast %reduce_sum3A_109 : vector<8xf32> to vector<1x8xf32>
    %add3A_111 = arith.addf %add3A_98, %broadcast_in_dim3A_110 : vector<1x8xf32>
    %slice3A_112 = vector.extract_strided_slice %convert_element_type3A_43 {offsets = [512, 0], sizes = [512, 8], strides = [1, 1]} : vector<2048x8xf32> to vector<512x8xf32>
    %dot_general3A_113 = arith.constant dense<0.000000e+00> : vector<512x8xf32>
    %dot_general3A_114 = tpu.matmul %convert_element_type3A_47, %slice3A_112, %dot_general3A_113 {dimension_numbers = #tpu.dot_dimension_numbers<[1], [0], [0], [1], [0, 0, 1, 1], [], []>, transpose_lhs_hint = false} : vector<512x512xf32>, vector<512x8xf32>, vector<512x8xf32> -> vector<512x8xf32>
    %add3A_115 = vector.broadcast %add3A_111 : vector<1x8xf32> to vector<512x8xf32>
    %add3A_116 = arith.addf %dot_general3A_114, %add3A_115 : vector<512x8xf32>
    %mul3A_117 = arith.mulf %add3A_116, %slice3A_112 : vector<512x8xf32>
    %reduce_sum3A_118 = arith.constant dense<0.000000e+00> : vector<512xf32>
    %reduce_sum3A_119 = vector.multi_reduction <add>, %mul3A_117, %reduce_sum3A_118 [1] : vector<512x8xf32> to vector<512xf32>
    %broadcast_in_dim3A_120 = vector.shape_cast %reduce_sum3A_119 : vector<512xf32> to vector<512x1xf32>
    %reduce_sum3A_121 = arith.constant dense<0.000000e+00> : vector<8xf32>
    %reduce_sum3A_122 = vector.multi_reduction <add>, %slice3A_112, %reduce_sum3A_121 [0] : vector<512x8xf32> to vector<8xf32>
    %broadcast_in_dim3A_123 = vector.shape_cast %reduce_sum3A_122 : vector<8xf32> to vector<1x8xf32>
    %add3A_124 = arith.addf %add3A_111, %broadcast_in_dim3A_123 : vector<1x8xf32>
    %slice3A_125 = vector.extract_strided_slice %convert_element_type3A_43 {offsets = [1024, 0], sizes = [512, 8], strides = [1, 1]} : vector<2048x8xf32> to vector<512x8xf32>
    %dot_general3A_126 = arith.constant dense<0.000000e+00> : vector<512x8xf32>
    %dot_general3A_127 = tpu.matmul %convert_element_type3A_47, %slice3A_125, %dot_general3A_126 {dimension_numbers = #tpu.dot_dimension_numbers<[1], [0], [0], [1], [0, 0, 1, 1], [], []>, transpose_lhs_hint = false} : vector<512x512xf32>, vector<512x8xf32>, vector<512x8xf32> -> vector<512x8xf32>
    %add3A_128 = vector.broadcast %add3A_124 : vector<1x8xf32> to vector<512x8xf32>
    %add3A_129 = arith.addf %dot_general3A_127, %add3A_128 : vector<512x8xf32>
    %mul3A_130 = arith.mulf %add3A_129, %slice3A_125 : vector<512x8xf32>
    %reduce_sum3A_131 = arith.constant dense<0.000000e+00> : vector<512xf32>
    %reduce_sum3A_132 = vector.multi_reduction <add>, %mul3A_130, %reduce_sum3A_131 [1] : vector<512x8xf32> to vector<512xf32>
    %broadcast_in_dim3A_133 = vector.shape_cast %reduce_sum3A_132 : vector<512xf32> to vector<512x1xf32>
    %reduce_sum3A_134 = arith.constant dense<0.000000e+00> : vector<8xf32>
    %reduce_sum3A_135 = vector.multi_reduction <add>, %slice3A_125, %reduce_sum3A_134 [0] : vector<512x8xf32> to vector<8xf32>
    %broadcast_in_dim3A_136 = vector.shape_cast %reduce_sum3A_135 : vector<8xf32> to vector<1x8xf32>
    %add3A_137 = arith.addf %add3A_124, %broadcast_in_dim3A_136 : vector<1x8xf32>
    %slice3A_138 = vector.extract_strided_slice %convert_element_type3A_43 {offsets = [1536, 0], sizes = [512, 8], strides = [1, 1]} : vector<2048x8xf32> to vector<512x8xf32>
    %dot_general3A_139 = arith.constant dense<0.000000e+00> : vector<512x8xf32>
    %dot_general3A_140 = tpu.matmul %convert_element_type3A_47, %slice3A_138, %dot_general3A_139 {dimension_numbers = #tpu.dot_dimension_numbers<[1], [0], [0], [1], [0, 0, 1, 1], [], []>, transpose_lhs_hint = false} : vector<512x512xf32>, vector<512x8xf32>, vector<512x8xf32> -> vector<512x8xf32>
    %add3A_141 = vector.broadcast %add3A_137 : vector<1x8xf32> to vector<512x8xf32>
    %add3A_142 = arith.addf %dot_general3A_140, %add3A_141 : vector<512x8xf32>
    %mul3A_143 = arith.mulf %add3A_142, %slice3A_138 : vector<512x8xf32>
    %reduce_sum3A_144 = arith.constant dense<0.000000e+00> : vector<512xf32>
    %reduce_sum3A_145 = vector.multi_reduction <add>, %mul3A_143, %reduce_sum3A_144 [1] : vector<512x8xf32> to vector<512xf32>
    %broadcast_in_dim3A_146 = vector.shape_cast %reduce_sum3A_145 : vector<512xf32> to vector<512x1xf32>
    %reduce_sum3A_147 = arith.constant dense<0.000000e+00> : vector<8xf32>
    %reduce_sum3A_148 = vector.multi_reduction <add>, %slice3A_138, %reduce_sum3A_147 [0] : vector<512x8xf32> to vector<8xf32>
    %broadcast_in_dim3A_149 = vector.shape_cast %reduce_sum3A_148 : vector<8xf32> to vector<1x8xf32>
    %add3A_150 = arith.addf %add3A_137, %broadcast_in_dim3A_149 : vector<1x8xf32>
    %convert_element_type3A_151 = arith.fptosi %add3A_150 : vector<1x8xf32> to vector<1x8xi32>
    %add3A_152 = arith.constant 255 : i32
    %add3A_153 = vector.broadcast %add3A_152 : i32 to vector<1x8xi32>
    %add3A_154 = arith.addi %convert_element_type3A_151, %add3A_153 : vector<1x8xi32>
    %jit3A_155 = arith.constant 256 : i32
    %div3A_156 = vector.broadcast %jit3A_155 : i32 to vector<1x8xi32>
    %div3A_157 = arith.divsi %add3A_154, %div3A_156 : vector<1x8xi32>
    %sign3A = arith.constant 0 : i32
    %sign3A_158 = vector.broadcast %sign3A : i32 to vector<1x8xi32>
    %sign3A_159 = arith.cmpi sgt, %add3A_154, %sign3A_158 : vector<1x8xi32>
    %sign3A_160 = arith.extui %sign3A_159 : vector<1x8xi1> to vector<1x8xi32>
    %sign3A_161 = arith.constant 0 : i32
    %sign3A_162 = vector.broadcast %sign3A_161 : i32 to vector<1x8xi32>
    %sign3A_163 = arith.cmpi slt, %add3A_154, %sign3A_162 : vector<1x8xi32>
    %sign3A_164 = arith.extui %sign3A_163 : vector<1x8xi1> to vector<1x8xi32>
    %sign3A_165 = arith.subi %sign3A_160, %sign3A_164 : vector<1x8xi32>
    %sign3A_166 = arith.constant 0 : i32
    %sign3A_167 = arith.cmpi sgt, %jit3A_155, %sign3A_166 : i32
    %sign3A_168 = arith.extui %sign3A_167 : i1 to i32
    %sign3A_169 = arith.constant 0 : i32
    %sign3A_170 = arith.cmpi slt, %jit3A_155, %sign3A_169 : i32
    %sign3A_171 = arith.extui %sign3A_170 : i1 to i32
    %sign3A_172 = arith.subi %sign3A_168, %sign3A_171 : i32
    %ne3A = vector.broadcast %sign3A_172 : i32 to vector<1x8xi32>
    %ne3A_173 = arith.cmpi ne, %sign3A_165, %ne3A : vector<1x8xi32>
    %rem3A = vector.broadcast %jit3A_155 : i32 to vector<1x8xi32>
    %rem3A_174 = arith.remsi %add3A_154, %rem3A : vector<1x8xi32>
    %ne3A_175 = arith.constant 0 : i32
    %ne3A_176 = vector.broadcast %ne3A_175 : i32 to vector<1x8xi32>
    %ne3A_177 = arith.cmpi ne, %rem3A_174, %ne3A_176 : vector<1x8xi32>
    %and3A = arith.andi %ne3A_173, %ne3A_177 : vector<1x8xi1>
    %sub3A_178 = arith.constant 1 : i32
    %sub3A_179 = vector.broadcast %sub3A_178 : i32 to vector<1x8xi32>
    %sub3A_180 = arith.subi %div3A_157, %sub3A_179 : vector<1x8xi32>
    %select_n3A_181 = arith.select %and3A, %sub3A_180, %div3A_157 : vector<1x8xi1>, vector<1x8xi32>
    %mul3A_182 = arith.constant 256 : i32
    %mul3A_183 = vector.broadcast %mul3A_182 : i32 to vector<1x8xi32>
    %mul3A_184 = arith.muli %select_n3A_181, %mul3A_183 : vector<1x8xi32>
    %convert_element_type3A_185 = arith.sitofp %mul3A_184 : vector<1x8xi32> to vector<1x8xf32>
    %iota3A_186 = tpu.iota {dimensions = array<i32: 0>} : vector<8x8xi32>
    %iota3A_187 = tpu.iota {dimensions = array<i32: 1>} : vector<8x8xi32>
    %lt3A = arith.cmpi slt, %iota3A_186, %iota3A_187 : vector<8x8xi32>
    %convert_element_type3A_188 = arith.extui %lt3A : vector<8x8xi1> to vector<8x8xi32>
    %convert_element_type3A_189 = arith.sitofp %convert_element_type3A_188 : vector<8x8xi32> to vector<8x8xf32>
    %dot_general3A_190 = arith.constant dense<0.000000e+00> : vector<1x8xf32>
    %dot_general3A_191 = tpu.matmul %convert_element_type3A_185, %convert_element_type3A_189, %dot_general3A_190 {dimension_numbers = #tpu.dot_dimension_numbers<[1], [0], [0], [1], [0, 0, 1, 1], [], []>, transpose_lhs_hint = false} : vector<1x8xf32>, vector<8x8xf32>, vector<1x8xf32> -> vector<1x8xf32>
    %concatenate3A = tpu.concatenate %broadcast_in_dim3A_55, %broadcast_in_dim3A_68, %broadcast_in_dim3A_81, %broadcast_in_dim3A_94 in 0 : vector<512x1xf32>, vector<512x1xf32>, vector<512x1xf32>, vector<512x1xf32> -> vector<2048x1xf32>
    %concatenate3A_192 = tpu.concatenate %broadcast_in_dim3A_107, %broadcast_in_dim3A_120, %broadcast_in_dim3A_133, %broadcast_in_dim3A_146 in 0 : vector<512x1xf32>, vector<512x1xf32>, vector<512x1xf32>, vector<512x1xf32> -> vector<2048x1xf32>
    %mul3A_193 = vector.broadcast %dot_general3A_191 : vector<1x8xf32> to vector<2048x8xf32>
    %mul3A_194 = arith.mulf %convert_element_type3A_39, %mul3A_193 : vector<2048x8xf32>
    %reduce_sum3A_195 = arith.constant dense<0.000000e+00> : vector<2048xf32>
    %reduce_sum3A_196 = vector.multi_reduction <add>, %mul3A_194, %reduce_sum3A_195 [1] : vector<2048x8xf32> to vector<2048xf32>
    %broadcast_in_dim3A_197 = vector.shape_cast %reduce_sum3A_196 : vector<2048xf32> to vector<2048x1xf32>
    %mul3A_198 = vector.broadcast %dot_general3A_191 : vector<1x8xf32> to vector<2048x8xf32>
    %mul3A_199 = arith.mulf %convert_element_type3A_43, %mul3A_198 : vector<2048x8xf32>
    %reduce_sum3A_200 = arith.constant dense<0.000000e+00> : vector<2048xf32>
    %reduce_sum3A_201 = vector.multi_reduction <add>, %mul3A_199, %reduce_sum3A_200 [1] : vector<2048x8xf32> to vector<2048xf32>
    %broadcast_in_dim3A_202 = vector.shape_cast %reduce_sum3A_201 : vector<2048xf32> to vector<2048x1xf32>
    %add3A_203 = arith.addf %broadcast_in_dim3A_197, %concatenate3A : vector<2048x1xf32>
    %convert_element_type3A_204 = arith.fptosi %add3A_203 : vector<2048x1xf32> to vector<2048x1xi32>
    %swap3A_205 = arith.constant 0 : index
    %swap3A_206 = arith.constant 0 : index
    %swap3A_207 = vector.load %arg4[%swap3A_205, %swap3A_206] : memref<2048x1xi32, #tpu.memory_space<vmem>>, vector<2048x1xi32>
    tpu.vector_store %arg4[%swap3A_205, %swap3A_206], %convert_element_type3A_204 {strides = array<i32>} : memref<2048x1xi32, #tpu.memory_space<vmem>>, vector<2048x1xi32>,
    %add3A_208 = arith.addf %broadcast_in_dim3A_202, %concatenate3A_192 : vector<2048x1xf32>
    %convert_element_type3A_209 = arith.fptosi %add3A_208 : vector<2048x1xf32> to vector<2048x1xi32>
    %swap3A_210 = arith.constant 0 : index
    %swap3A_211 = arith.constant 0 : index
    %swap3A_212 = vector.load %arg5[%swap3A_210, %swap3A_211] : memref<2048x1xi32, #tpu.memory_space<vmem>>, vector<2048x1xi32>
    tpu.vector_store %arg5[%swap3A_210, %swap3A_211], %convert_element_type3A_209 {strides = array<i32>} : memref<2048x1xi32, #tpu.memory_space<vmem>>, vector<2048x1xi32>,
    %reduce_sum3A_213 = vector.shape_cast %convert_element_type3A_185 : vector<1x8xf32> to vector<1x1x8xf32>
    %reduce_sum3A_214 = arith.constant dense<0.000000e+00> : vector<1xf32>
    %reduce_sum3A_215 = vector.multi_reduction <add>, %reduce_sum3A_213, %reduce_sum3A_214 [1, 2] : vector<1x1x8xf32> to vector<1xf32>
    %reduce_sum3A_216 = vector.shape_cast %reduce_sum3A_215 : vector<1xf32> to vector<1x1x1xf32>
    %reduce_sum3A_217 = vector.extract %reduce_sum3A_216[0, 0, 0] : f32 from vector<1x1x1xf32>
    %convert_element_type3A_218 = arith.fptosi %reduce_sum3A_217 : f32 to i32
    %iota3A_219 = tpu.iota {dimensions = array<i32: 1>} : vector<8x128xi32>
    %mul3A_220 = arith.constant 256 : i32
    %mul3A_221 = vector.broadcast %mul3A_220 : i32 to vector<8x128xi32>
    %mul3A_222 = arith.muli %iota3A_219, %mul3A_221 : vector<8x128xi32>
    %sub3A_223 = arith.constant 256 : i32
    %sub3A_224 = arith.subi %convert_element_type3A_218, %sub3A_223 : i32
    %min3A = vector.broadcast %sub3A_224 : i32 to vector<8x128xi32>
    %min3A_225 = arith.minsi %mul3A_222, %min3A : vector<8x128xi32>
    %broadcast_in_dim3A_226 = arith.constant 0 : i32
    %broadcast_in_dim3A_227 = vector.broadcast %broadcast_in_dim3A_226 : i32 to vector<8x128xi32>
    %iota3A_228 = tpu.iota {dimensions = array<i32: 1>} : vector<1x8xi32>
    %eq3A_229 = arith.constant 0 : i32
    %eq3A_230 = vector.broadcast %eq3A_229 : i32 to vector<1x8xi32>
    %eq3A_231 = arith.cmpi eq, %iota3A_228, %eq3A_230 : vector<1x8xi32>
    %convert_element_type3A_232 = arith.extui %eq3A_231 : vector<1x8xi1> to vector<1x8xi32>
    %convert_element_type3A_233 = arith.sitofp %convert_element_type3A_232 : vector<1x8xi32> to vector<1x8xf32>
    %mul3A_234 = arith.mulf %dot_general3A_191, %convert_element_type3A_233 : vector<1x8xf32>
    %reduce_sum3A_235 = vector.shape_cast %mul3A_234 : vector<1x8xf32> to vector<1x1x8xf32>
    %reduce_sum3A_236 = arith.constant dense<0.000000e+00> : vector<1xf32>
    %reduce_sum3A_237 = vector.multi_reduction <add>, %reduce_sum3A_235, %reduce_sum3A_236 [1, 2] : vector<1x1x8xf32> to vector<1xf32>
    %reduce_sum3A_238 = vector.shape_cast %reduce_sum3A_237 : vector<1xf32> to vector<1x1x1xf32>
    %reduce_sum3A_239 = vector.extract %reduce_sum3A_238[0, 0, 0] : f32 from vector<1x1x1xf32>
    %convert_element_type3A_240 = arith.fptosi %reduce_sum3A_239 : f32 to i32
    %mul3A_241 = arith.mulf %convert_element_type3A_185, %convert_element_type3A_233 : vector<1x8xf32>
    %reduce_sum3A_242 = vector.shape_cast %mul3A_241 : vector<1x8xf32> to vector<1x1x8xf32>
    %reduce_sum3A_243 = arith.constant dense<0.000000e+00> : vector<1xf32>
    %reduce_sum3A_244 = vector.multi_reduction <add>, %reduce_sum3A_242, %reduce_sum3A_243 [1, 2] : vector<1x1x8xf32> to vector<1xf32>
    %reduce_sum3A_245 = vector.shape_cast %reduce_sum3A_244 : vector<1xf32> to vector<1x1x1xf32>
    %reduce_sum3A_246 = vector.extract %reduce_sum3A_245[0, 0, 0] : f32 from vector<1x1x1xf32>
    %convert_element_type3A_247 = arith.fptosi %reduce_sum3A_246 : f32 to i32
    %ge3A = vector.broadcast %convert_element_type3A_240 : i32 to vector<8x128xi32>
    %ge3A_248 = arith.cmpi sge, %min3A_225, %ge3A : vector<8x128xi32>
    %add3A_249 = arith.addi %convert_element_type3A_240, %convert_element_type3A_247 : i32
    %lt3A_250 = vector.broadcast %add3A_249 : i32 to vector<8x128xi32>
    %lt3A_251 = arith.cmpi slt, %min3A_225, %lt3A_250 : vector<8x128xi32>
    %and3A_252 = arith.andi %ge3A_248, %lt3A_251 : vector<8x128xi1>
    %convert_element_type3A_253 = arith.extui %and3A_252 : vector<8x128xi1> to vector<8x128xi32>
    %mul3A_254 = arith.constant 0 : i32
    %mul3A_255 = vector.broadcast %mul3A_254 : i32 to vector<8x128xi32>
    %mul3A_256 = arith.muli %mul3A_255, %convert_element_type3A_253 : vector<8x128xi32>
    %add3A_257 = arith.addi %broadcast_in_dim3A_227, %mul3A_256 : vector<8x128xi32>
    %iota3A_258 = tpu.iota {dimensions = array<i32: 1>} : vector<1x8xi32>
    %eq3A_259 = arith.constant 1 : i32
    %eq3A_260 = vector.broadcast %eq3A_259 : i32 to vector<1x8xi32>
    %eq3A_261 = arith.cmpi eq, %iota3A_258, %eq3A_260 : vector<1x8xi32>
    %convert_element_type3A_262 = arith.extui %eq3A_261 : vector<1x8xi1> to vector<1x8xi32>
    %convert_element_type3A_263 = arith.sitofp %convert_element_type3A_262 : vector<1x8xi32> to vector<1x8xf32>
    %mul3A_264 = arith.mulf %dot_general3A_191, %convert_element_type3A_263 : vector<1x8xf32>
    %reduce_sum3A_265 = vector.shape_cast %mul3A_264 : vector<1x8xf32> to vector<1x1x8xf32>
    %reduce_sum3A_266 = arith.constant dense<0.000000e+00> : vector<1xf32>
    %reduce_sum3A_267 = vector.multi_reduction <add>, %reduce_sum3A_265, %reduce_sum3A_266 [1, 2] : vector<1x1x8xf32> to vector<1xf32>
    %reduce_sum3A_268 = vector.shape_cast %reduce_sum3A_267 : vector<1xf32> to vector<1x1x1xf32>
    %reduce_sum3A_269 = vector.extract %reduce_sum3A_268[0, 0, 0] : f32 from vector<1x1x1xf32>
    %convert_element_type3A_270 = arith.fptosi %reduce_sum3A_269 : f32 to i32
    %mul3A_271 = arith.mulf %convert_element_type3A_185, %convert_element_type3A_263 : vector<1x8xf32>
    %reduce_sum3A_272 = vector.shape_cast %mul3A_271 : vector<1x8xf32> to vector<1x1x8xf32>
    %reduce_sum3A_273 = arith.constant dense<0.000000e+00> : vector<1xf32>
    %reduce_sum3A_274 = vector.multi_reduction <add>, %reduce_sum3A_272, %reduce_sum3A_273 [1, 2] : vector<1x1x8xf32> to vector<1xf32>
    %reduce_sum3A_275 = vector.shape_cast %reduce_sum3A_274 : vector<1xf32> to vector<1x1x1xf32>
    %reduce_sum3A_276 = vector.extract %reduce_sum3A_275[0, 0, 0] : f32 from vector<1x1x1xf32>
    %convert_element_type3A_277 = arith.fptosi %reduce_sum3A_276 : f32 to i32
    %ge3A_278 = vector.broadcast %convert_element_type3A_270 : i32 to vector<8x128xi32>
    %ge3A_279 = arith.cmpi sge, %min3A_225, %ge3A_278 : vector<8x128xi32>
    %add3A_280 = arith.addi %convert_element_type3A_270, %convert_element_type3A_277 : i32
    %lt3A_281 = vector.broadcast %add3A_280 : i32 to vector<8x128xi32>
    %lt3A_282 = arith.cmpi slt, %min3A_225, %lt3A_281 : vector<8x128xi32>
    %and3A_283 = arith.andi %ge3A_279, %lt3A_282 : vector<8x128xi1>
    %convert_element_type3A_284 = arith.extui %and3A_283 : vector<8x128xi1> to vector<8x128xi32>
    %mul3A_285 = arith.constant 1 : i32
    %mul3A_286 = vector.broadcast %mul3A_285 : i32 to vector<8x128xi32>
    %mul3A_287 = arith.muli %mul3A_286, %convert_element_type3A_284 : vector<8x128xi32>
    %add3A_288 = arith.addi %add3A_257, %mul3A_287 : vector<8x128xi32>
    %iota3A_289 = tpu.iota {dimensions = array<i32: 1>} : vector<1x8xi32>
    %eq3A_290 = arith.constant 2 : i32
    %eq3A_291 = vector.broadcast %eq3A_290 : i32 to vector<1x8xi32>
    %eq3A_292 = arith.cmpi eq, %iota3A_289, %eq3A_291 : vector<1x8xi32>
    %convert_element_type3A_293 = arith.extui %eq3A_292 : vector<1x8xi1> to vector<1x8xi32>
    %convert_element_type3A_294 = arith.sitofp %convert_element_type3A_293 : vector<1x8xi32> to vector<1x8xf32>
    %mul3A_295 = arith.mulf %dot_general3A_191, %convert_element_type3A_294 : vector<1x8xf32>
    %reduce_sum3A_296 = vector.shape_cast %mul3A_295 : vector<1x8xf32> to vector<1x1x8xf32>
    %reduce_sum3A_297 = arith.constant dense<0.000000e+00> : vector<1xf32>
    %reduce_sum3A_298 = vector.multi_reduction <add>, %reduce_sum3A_296, %reduce_sum3A_297 [1, 2] : vector<1x1x8xf32> to vector<1xf32>
    %reduce_sum3A_299 = vector.shape_cast %reduce_sum3A_298 : vector<1xf32> to vector<1x1x1xf32>
    %reduce_sum3A_300 = vector.extract %reduce_sum3A_299[0, 0, 0] : f32 from vector<1x1x1xf32>
    %convert_element_type3A_301 = arith.fptosi %reduce_sum3A_300 : f32 to i32
    %mul3A_302 = arith.mulf %convert_element_type3A_185, %convert_element_type3A_294 : vector<1x8xf32>
    %reduce_sum3A_303 = vector.shape_cast %mul3A_302 : vector<1x8xf32> to vector<1x1x8xf32>
    %reduce_sum3A_304 = arith.constant dense<0.000000e+00> : vector<1xf32>
    %reduce_sum3A_305 = vector.multi_reduction <add>, %reduce_sum3A_303, %reduce_sum3A_304 [1, 2] : vector<1x1x8xf32> to vector<1xf32>
    %reduce_sum3A_306 = vector.shape_cast %reduce_sum3A_305 : vector<1xf32> to vector<1x1x1xf32>
    %reduce_sum3A_307 = vector.extract %reduce_sum3A_306[0, 0, 0] : f32 from vector<1x1x1xf32>
    %convert_element_type3A_308 = arith.fptosi %reduce_sum3A_307 : f32 to i32
    %ge3A_309 = vector.broadcast %convert_element_type3A_301 : i32 to vector<8x128xi32>
    %ge3A_310 = arith.cmpi sge, %min3A_225, %ge3A_309 : vector<8x128xi32>
    %add3A_311 = arith.addi %convert_element_type3A_301, %convert_element_type3A_308 : i32
    %lt3A_312 = vector.broadcast %add3A_311 : i32 to vector<8x128xi32>
    %lt3A_313 = arith.cmpi slt, %min3A_225, %lt3A_312 : vector<8x128xi32>
    %and3A_314 = arith.andi %ge3A_310, %lt3A_313 : vector<8x128xi1>
    %convert_element_type3A_315 = arith.extui %and3A_314 : vector<8x128xi1> to vector<8x128xi32>
    %mul3A_316 = arith.constant 2 : i32
    %mul3A_317 = vector.broadcast %mul3A_316 : i32 to vector<8x128xi32>
    %mul3A_318 = arith.muli %mul3A_317, %convert_element_type3A_315 : vector<8x128xi32>
    %add3A_319 = arith.addi %add3A_288, %mul3A_318 : vector<8x128xi32>
    %iota3A_320 = tpu.iota {dimensions = array<i32: 1>} : vector<1x8xi32>
    %eq3A_321 = arith.constant 3 : i32
    %eq3A_322 = vector.broadcast %eq3A_321 : i32 to vector<1x8xi32>
    %eq3A_323 = arith.cmpi eq, %iota3A_320, %eq3A_322 : vector<1x8xi32>
    %convert_element_type3A_324 = arith.extui %eq3A_323 : vector<1x8xi1> to vector<1x8xi32>
    %convert_element_type3A_325 = arith.sitofp %convert_element_type3A_324 : vector<1x8xi32> to vector<1x8xf32>
    %mul3A_326 = arith.mulf %dot_general3A_191, %convert_element_type3A_325 : vector<1x8xf32>
    %reduce_sum3A_327 = vector.shape_cast %mul3A_326 : vector<1x8xf32> to vector<1x1x8xf32>
    %reduce_sum3A_328 = arith.constant dense<0.000000e+00> : vector<1xf32>
    %reduce_sum3A_329 = vector.multi_reduction <add>, %reduce_sum3A_327, %reduce_sum3A_328 [1, 2] : vector<1x1x8xf32> to vector<1xf32>
    %reduce_sum3A_330 = vector.shape_cast %reduce_sum3A_329 : vector<1xf32> to vector<1x1x1xf32>
    %reduce_sum3A_331 = vector.extract %reduce_sum3A_330[0, 0, 0] : f32 from vector<1x1x1xf32>
    %convert_element_type3A_332 = arith.fptosi %reduce_sum3A_331 : f32 to i32
    %mul3A_333 = arith.mulf %convert_element_type3A_185, %convert_element_type3A_325 : vector<1x8xf32>
    %reduce_sum3A_334 = vector.shape_cast %mul3A_333 : vector<1x8xf32> to vector<1x1x8xf32>
    %reduce_sum3A_335 = arith.constant dense<0.000000e+00> : vector<1xf32>
    %reduce_sum3A_336 = vector.multi_reduction <add>, %reduce_sum3A_334, %reduce_sum3A_335 [1, 2] : vector<1x1x8xf32> to vector<1xf32>
    %reduce_sum3A_337 = vector.shape_cast %reduce_sum3A_336 : vector<1xf32> to vector<1x1x1xf32>
    %reduce_sum3A_338 = vector.extract %reduce_sum3A_337[0, 0, 0] : f32 from vector<1x1x1xf32>
    %convert_element_type3A_339 = arith.fptosi %reduce_sum3A_338 : f32 to i32
    %ge3A_340 = vector.broadcast %convert_element_type3A_332 : i32 to vector<8x128xi32>
    %ge3A_341 = arith.cmpi sge, %min3A_225, %ge3A_340 : vector<8x128xi32>
    %add3A_342 = arith.addi %convert_element_type3A_332, %convert_element_type3A_339 : i32
    %lt3A_343 = vector.broadcast %add3A_342 : i32 to vector<8x128xi32>
    %lt3A_344 = arith.cmpi slt, %min3A_225, %lt3A_343 : vector<8x128xi32>
    %and3A_345 = arith.andi %ge3A_341, %lt3A_344 : vector<8x128xi1>
    %convert_element_type3A_346 = arith.extui %and3A_345 : vector<8x128xi1> to vector<8x128xi32>
    %mul3A_347 = arith.constant 3 : i32
    %mul3A_348 = vector.broadcast %mul3A_347 : i32 to vector<8x128xi32>
    %mul3A_349 = arith.muli %mul3A_348, %convert_element_type3A_346 : vector<8x128xi32>
    %add3A_350 = arith.addi %add3A_319, %mul3A_349 : vector<8x128xi32>
    %iota3A_351 = tpu.iota {dimensions = array<i32: 1>} : vector<1x8xi32>
    %eq3A_352 = arith.constant 4 : i32
    %eq3A_353 = vector.broadcast %eq3A_352 : i32 to vector<1x8xi32>
    %eq3A_354 = arith.cmpi eq, %iota3A_351, %eq3A_353 : vector<1x8xi32>
    %convert_element_type3A_355 = arith.extui %eq3A_354 : vector<1x8xi1> to vector<1x8xi32>
    %convert_element_type3A_356 = arith.sitofp %convert_element_type3A_355 : vector<1x8xi32> to vector<1x8xf32>
    %mul3A_357 = arith.mulf %dot_general3A_191, %convert_element_type3A_356 : vector<1x8xf32>
    %reduce_sum3A_358 = vector.shape_cast %mul3A_357 : vector<1x8xf32> to vector<1x1x8xf32>
    %reduce_sum3A_359 = arith.constant dense<0.000000e+00> : vector<1xf32>
    %reduce_sum3A_360 = vector.multi_reduction <add>, %reduce_sum3A_358, %reduce_sum3A_359 [1, 2] : vector<1x1x8xf32> to vector<1xf32>
    %reduce_sum3A_361 = vector.shape_cast %reduce_sum3A_360 : vector<1xf32> to vector<1x1x1xf32>
    %reduce_sum3A_362 = vector.extract %reduce_sum3A_361[0, 0, 0] : f32 from vector<1x1x1xf32>
    %convert_element_type3A_363 = arith.fptosi %reduce_sum3A_362 : f32 to i32
    %mul3A_364 = arith.mulf %convert_element_type3A_185, %convert_element_type3A_356 : vector<1x8xf32>
    %reduce_sum3A_365 = vector.shape_cast %mul3A_364 : vector<1x8xf32> to vector<1x1x8xf32>
    %reduce_sum3A_366 = arith.constant dense<0.000000e+00> : vector<1xf32>
    %reduce_sum3A_367 = vector.multi_reduction <add>, %reduce_sum3A_365, %reduce_sum3A_366 [1, 2] : vector<1x1x8xf32> to vector<1xf32>
    %reduce_sum3A_368 = vector.shape_cast %reduce_sum3A_367 : vector<1xf32> to vector<1x1x1xf32>
    %reduce_sum3A_369 = vector.extract %reduce_sum3A_368[0, 0, 0] : f32 from vector<1x1x1xf32>
    %convert_element_type3A_370 = arith.fptosi %reduce_sum3A_369 : f32 to i32
    %ge3A_371 = vector.broadcast %convert_element_type3A_363 : i32 to vector<8x128xi32>
    %ge3A_372 = arith.cmpi sge, %min3A_225, %ge3A_371 : vector<8x128xi32>
    %add3A_373 = arith.addi %convert_element_type3A_363, %convert_element_type3A_370 : i32
    %lt3A_374 = vector.broadcast %add3A_373 : i32 to vector<8x128xi32>
    %lt3A_375 = arith.cmpi slt, %min3A_225, %lt3A_374 : vector<8x128xi32>
    %and3A_376 = arith.andi %ge3A_372, %lt3A_375 : vector<8x128xi1>
    %convert_element_type3A_377 = arith.extui %and3A_376 : vector<8x128xi1> to vector<8x128xi32>
    %mul3A_378 = arith.constant 4 : i32
    %mul3A_379 = vector.broadcast %mul3A_378 : i32 to vector<8x128xi32>
    %mul3A_380 = arith.muli %mul3A_379, %convert_element_type3A_377 : vector<8x128xi32>
    %add3A_381 = arith.addi %add3A_350, %mul3A_380 : vector<8x128xi32>
    %iota3A_382 = tpu.iota {dimensions = array<i32: 1>} : vector<1x8xi32>
    %eq3A_383 = arith.constant 5 : i32
    %eq3A_384 = vector.broadcast %eq3A_383 : i32 to vector<1x8xi32>
    %eq3A_385 = arith.cmpi eq, %iota3A_382, %eq3A_384 : vector<1x8xi32>
    %convert_element_type3A_386 = arith.extui %eq3A_385 : vector<1x8xi1> to vector<1x8xi32>
    %convert_element_type3A_387 = arith.sitofp %convert_element_type3A_386 : vector<1x8xi32> to vector<1x8xf32>
    %mul3A_388 = arith.mulf %dot_general3A_191, %convert_element_type3A_387 : vector<1x8xf32>
    %reduce_sum3A_389 = vector.shape_cast %mul3A_388 : vector<1x8xf32> to vector<1x1x8xf32>
    %reduce_sum3A_390 = arith.constant dense<0.000000e+00> : vector<1xf32>
    %reduce_sum3A_391 = vector.multi_reduction <add>, %reduce_sum3A_389, %reduce_sum3A_390 [1, 2] : vector<1x1x8xf32> to vector<1xf32>
    %reduce_sum3A_392 = vector.shape_cast %reduce_sum3A_391 : vector<1xf32> to vector<1x1x1xf32>
    %reduce_sum3A_393 = vector.extract %reduce_sum3A_392[0, 0, 0] : f32 from vector<1x1x1xf32>
    %convert_element_type3A_394 = arith.fptosi %reduce_sum3A_393 : f32 to i32
    %mul3A_395 = arith.mulf %convert_element_type3A_185, %convert_element_type3A_387 : vector<1x8xf32>
    %reduce_sum3A_396 = vector.shape_cast %mul3A_395 : vector<1x8xf32> to vector<1x1x8xf32>
    %reduce_sum3A_397 = arith.constant dense<0.000000e+00> : vector<1xf32>
    %reduce_sum3A_398 = vector.multi_reduction <add>, %reduce_sum3A_396, %reduce_sum3A_397 [1, 2] : vector<1x1x8xf32> to vector<1xf32>
    %reduce_sum3A_399 = vector.shape_cast %reduce_sum3A_398 : vector<1xf32> to vector<1x1x1xf32>
    %reduce_sum3A_400 = vector.extract %reduce_sum3A_399[0, 0, 0] : f32 from vector<1x1x1xf32>
    %convert_element_type3A_401 = arith.fptosi %reduce_sum3A_400 : f32 to i32
    %ge3A_402 = vector.broadcast %convert_element_type3A_394 : i32 to vector<8x128xi32>
    %ge3A_403 = arith.cmpi sge, %min3A_225, %ge3A_402 : vector<8x128xi32>
    %add3A_404 = arith.addi %convert_element_type3A_394, %convert_element_type3A_401 : i32
    %lt3A_405 = vector.broadcast %add3A_404 : i32 to vector<8x128xi32>
    %lt3A_406 = arith.cmpi slt, %min3A_225, %lt3A_405 : vector<8x128xi32>
    %and3A_407 = arith.andi %ge3A_403, %lt3A_406 : vector<8x128xi1>
    %convert_element_type3A_408 = arith.extui %and3A_407 : vector<8x128xi1> to vector<8x128xi32>
    %mul3A_409 = arith.constant 5 : i32
    %mul3A_410 = vector.broadcast %mul3A_409 : i32 to vector<8x128xi32>
    %mul3A_411 = arith.muli %mul3A_410, %convert_element_type3A_408 : vector<8x128xi32>
    %add3A_412 = arith.addi %add3A_381, %mul3A_411 : vector<8x128xi32>
    %iota3A_413 = tpu.iota {dimensions = array<i32: 1>} : vector<1x8xi32>
    %eq3A_414 = arith.constant 6 : i32
    %eq3A_415 = vector.broadcast %eq3A_414 : i32 to vector<1x8xi32>
    %eq3A_416 = arith.cmpi eq, %iota3A_413, %eq3A_415 : vector<1x8xi32>
    %convert_element_type3A_417 = arith.extui %eq3A_416 : vector<1x8xi1> to vector<1x8xi32>
    %convert_element_type3A_418 = arith.sitofp %convert_element_type3A_417 : vector<1x8xi32> to vector<1x8xf32>
    %mul3A_419 = arith.mulf %dot_general3A_191, %convert_element_type3A_418 : vector<1x8xf32>
    %reduce_sum3A_420 = vector.shape_cast %mul3A_419 : vector<1x8xf32> to vector<1x1x8xf32>
    %reduce_sum3A_421 = arith.constant dense<0.000000e+00> : vector<1xf32>
    %reduce_sum3A_422 = vector.multi_reduction <add>, %reduce_sum3A_420, %reduce_sum3A_421 [1, 2] : vector<1x1x8xf32> to vector<1xf32>
    %reduce_sum3A_423 = vector.shape_cast %reduce_sum3A_422 : vector<1xf32> to vector<1x1x1xf32>
    %reduce_sum3A_424 = vector.extract %reduce_sum3A_423[0, 0, 0] : f32 from vector<1x1x1xf32>
    %convert_element_type3A_425 = arith.fptosi %reduce_sum3A_424 : f32 to i32
    %mul3A_426 = arith.mulf %convert_element_type3A_185, %convert_element_type3A_418 : vector<1x8xf32>
    %reduce_sum3A_427 = vector.shape_cast %mul3A_426 : vector<1x8xf32> to vector<1x1x8xf32>
    %reduce_sum3A_428 = arith.constant dense<0.000000e+00> : vector<1xf32>
    %reduce_sum3A_429 = vector.multi_reduction <add>, %reduce_sum3A_427, %reduce_sum3A_428 [1, 2] : vector<1x1x8xf32> to vector<1xf32>
    %reduce_sum3A_430 = vector.shape_cast %reduce_sum3A_429 : vector<1xf32> to vector<1x1x1xf32>
    %reduce_sum3A_431 = vector.extract %reduce_sum3A_430[0, 0, 0] : f32 from vector<1x1x1xf32>
    %convert_element_type3A_432 = arith.fptosi %reduce_sum3A_431 : f32 to i32
    %ge3A_433 = vector.broadcast %convert_element_type3A_425 : i32 to vector<8x128xi32>
    %ge3A_434 = arith.cmpi sge, %min3A_225, %ge3A_433 : vector<8x128xi32>
    %add3A_435 = arith.addi %convert_element_type3A_425, %convert_element_type3A_432 : i32
    %lt3A_436 = vector.broadcast %add3A_435 : i32 to vector<8x128xi32>
    %lt3A_437 = arith.cmpi slt, %min3A_225, %lt3A_436 : vector<8x128xi32>
    %and3A_438 = arith.andi %ge3A_434, %lt3A_437 : vector<8x128xi1>
    %convert_element_type3A_439 = arith.extui %and3A_438 : vector<8x128xi1> to vector<8x128xi32>
    %mul3A_440 = arith.constant 6 : i32
    %mul3A_441 = vector.broadcast %mul3A_440 : i32 to vector<8x128xi32>
    %mul3A_442 = arith.muli %mul3A_441, %convert_element_type3A_439 : vector<8x128xi32>
    %add3A_443 = arith.addi %add3A_412, %mul3A_442 : vector<8x128xi32>
    %iota3A_444 = tpu.iota {dimensions = array<i32: 1>} : vector<1x8xi32>
    %eq3A_445 = arith.constant 7 : i32
    %eq3A_446 = vector.broadcast %eq3A_445 : i32 to vector<1x8xi32>
    %eq3A_447 = arith.cmpi eq, %iota3A_444, %eq3A_446 : vector<1x8xi32>
    %convert_element_type3A_448 = arith.extui %eq3A_447 : vector<1x8xi1> to vector<1x8xi32>
    %convert_element_type3A_449 = arith.sitofp %convert_element_type3A_448 : vector<1x8xi32> to vector<1x8xf32>
    %mul3A_450 = arith.mulf %dot_general3A_191, %convert_element_type3A_449 : vector<1x8xf32>
    %reduce_sum3A_451 = vector.shape_cast %mul3A_450 : vector<1x8xf32> to vector<1x1x8xf32>
    %reduce_sum3A_452 = arith.constant dense<0.000000e+00> : vector<1xf32>
    %reduce_sum3A_453 = vector.multi_reduction <add>, %reduce_sum3A_451, %reduce_sum3A_452 [1, 2] : vector<1x1x8xf32> to vector<1xf32>
    %reduce_sum3A_454 = vector.shape_cast %reduce_sum3A_453 : vector<1xf32> to vector<1x1x1xf32>
    %reduce_sum3A_455 = vector.extract %reduce_sum3A_454[0, 0, 0] : f32 from vector<1x1x1xf32>
    %convert_element_type3A_456 = arith.fptosi %reduce_sum3A_455 : f32 to i32
    %mul3A_457 = arith.mulf %convert_element_type3A_185, %convert_element_type3A_449 : vector<1x8xf32>
    %reduce_sum3A_458 = vector.shape_cast %mul3A_457 : vector<1x8xf32> to vector<1x1x8xf32>
    %reduce_sum3A_459 = arith.constant dense<0.000000e+00> : vector<1xf32>
    %reduce_sum3A_460 = vector.multi_reduction <add>, %reduce_sum3A_458, %reduce_sum3A_459 [1, 2] : vector<1x1x8xf32> to vector<1xf32>
    %reduce_sum3A_461 = vector.shape_cast %reduce_sum3A_460 : vector<1xf32> to vector<1x1x1xf32>
    %reduce_sum3A_462 = vector.extract %reduce_sum3A_461[0, 0, 0] : f32 from vector<1x1x1xf32>
    %convert_element_type3A_463 = arith.fptosi %reduce_sum3A_462 : f32 to i32
    %ge3A_464 = vector.broadcast %convert_element_type3A_456 : i32 to vector<8x128xi32>
    %ge3A_465 = arith.cmpi sge, %min3A_225, %ge3A_464 : vector<8x128xi32>
    %add3A_466 = arith.addi %convert_element_type3A_456, %convert_element_type3A_463 : i32
    %lt3A_467 = vector.broadcast %add3A_466 : i32 to vector<8x128xi32>
    %lt3A_468 = arith.cmpi slt, %min3A_225, %lt3A_467 : vector<8x128xi32>
    %and3A_469 = arith.andi %ge3A_465, %lt3A_468 : vector<8x128xi1>
    %convert_element_type3A_470 = arith.extui %and3A_469 : vector<8x128xi1> to vector<8x128xi32>
    %mul3A_471 = arith.constant 7 : i32
    %mul3A_472 = vector.broadcast %mul3A_471 : i32 to vector<8x128xi32>
    %mul3A_473 = arith.muli %mul3A_472, %convert_element_type3A_470 : vector<8x128xi32>
    %add3A_474 = arith.addi %add3A_443, %mul3A_473 : vector<8x128xi32>
    %reduce_sum3A_475 = vector.shape_cast %convert_element_type3A_185 : vector<1x8xf32> to vector<1x1x8xf32>
    %reduce_sum3A_476 = arith.constant dense<0.000000e+00> : vector<1xf32>
    %reduce_sum3A_477 = vector.multi_reduction <add>, %reduce_sum3A_475, %reduce_sum3A_476 [1, 2] : vector<1x1x8xf32> to vector<1xf32>
    %reduce_sum3A_478 = vector.shape_cast %reduce_sum3A_477 : vector<1xf32> to vector<1x1x1xf32>
    %reduce_sum3A_479 = vector.extract %reduce_sum3A_478[0, 0, 0] : f32 from vector<1x1x1xf32>
    %div3A_480 = arith.constant 2.560000e+02 : f32
    %div3A_481 = arith.divf %reduce_sum3A_479, %div3A_480 : f32
    %convert_element_type3A_482 = arith.fptosi %div3A_481 : f32 to i32
    %iota3A_483 = tpu.iota {dimensions = array<i32: 1>} : vector<8x128xi32>
    %eq3A_484 = arith.constant 23 : i32
    %eq3A_485 = vector.broadcast %eq3A_484 : i32 to vector<8x128xi32>
    %eq3A_486 = arith.cmpi eq, %iota3A_483, %eq3A_485 : vector<8x128xi32>
    %broadcast_in_dim3A_487 = vector.broadcast %convert_element_type3A_482 : i32 to vector<8x128xi32>
    %select_n3A_488 = arith.select %eq3A_486, %broadcast_in_dim3A_487, %add3A_474 : vector<8x128xi1>, vector<8x128xi32>
    %swap3A_489 = arith.constant 0 : index
    %swap3A_490 = arith.constant 0 : index
    %swap3A_491 = vector.load %arg6[%swap3A_489, %swap3A_490] : memref<8x128xi32, #tpu.memory_space<vmem>>, vector<8x128xi32>
    tpu.vector_store %arg6[%swap3A_489, %swap3A_490], %select_n3A_488 {strides = array<i32>} : memref<8x128xi32, #tpu.memory_space<vmem>>, vector<8x128xi32>,
    return
  }
  func.func @transform_0(%arg0: i32) -> (i32, i32) {
    %c0_i32 = arith.constant 0 : i32
    %c0_i32_0 = arith.constant 0 : i32
    %c0_i32_1 = arith.constant 0 : i32
    return %c0_i32, %c0_i32_0 : i32, i32
  }
  func.func @transform_1(%arg0: i32) -> (i32, i32) {
    %c0_i32 = arith.constant 0 : i32
    %c0_i32_0 = arith.constant 0 : i32
    %c0_i32_1 = arith.constant 0 : i32
    return %c0_i32, %c0_i32_0 : i32, i32
  }
  func.func @transform_2(%arg0: i32) -> (i32, i32) {
    %c0_i32 = arith.constant 0 : i32
    %c0_i32_0 = arith.constant 0 : i32
    %c0_i32_1 = arith.constant 0 : i32
    return %c0_i32, %c0_i32_0 : i32, i32
  }
  func.func @transform_3(%arg0: i32) -> (i32, i32) {
    %c0_i32 = arith.constant 0 : i32
    %c0_i32_0 = arith.constant 0 : i32
    %c0_i32_1 = arith.constant 0 : i32
    return %c0_i32, %c0_i32_0 : i32, i32
  }
  func.func @transform_4(%arg0: i32) -> (i32, i32) {
    %c0_i32 = arith.constant 0 : i32
    %c0_i32_0 = arith.constant 0 : i32
    %c0_i32_1 = arith.constant 0 : i32
    return %c0_i32, %c0_i32_0 : i32, i32
  }
  func.func @transform_5(%arg0: i32) -> (i32, i32) {
    %c0_i32 = arith.constant 0 : i32
    %c0_i32_0 = arith.constant 0 : i32
    %c0_i32_1 = arith.constant 0 : i32
    return %c0_i32, %c0_i32_0 : i32, i32
  }
}

module attributes {stable_mosaic.version = 14 : i64} {
  func.func @_gmm_kernel(%arg0: i32, %arg1: memref<128xi32, #tpu.memory_space<smem>>, %arg2: memref<256x768xf32, #tpu.memory_space<vmem>>, %arg3: memref<1x768x1536xf32, #tpu.memory_space<vmem>>, %arg4: memref<1x1x1536xf32, #tpu.memory_space<vmem>>, %arg5: memref<1x1536x768xf32, #tpu.memory_space<vmem>>, %arg6: memref<1x1x768xf32, #tpu.memory_space<vmem>>, %arg7: memref<256x768xf32, #tpu.memory_space<vmem>>) attributes {dimension_semantics = [#tpu.dimension_semantics<arbitrary>], iteration_bounds = array<i64: 23>, scalar_prefetch = 1 : i64, scratch_operands = 0 : i64, tpu.core_type = #tpu.core_type<tc>, window_params = [{transform_indices = @transform_0, window_bounds = array<i64: 256, 768>}, {transform_indices = @transform_1, window_bounds = array<i64: 1, 768, 1536>}, {transform_indices = @transform_2, window_bounds = array<i64: 1, 1, 1536>}, {transform_indices = @transform_3, window_bounds = array<i64: 1, 1536, 768>}, {transform_indices = @transform_4, window_bounds = array<i64: 1, 1, 768>}, {transform_indices = @transform_5, window_bounds = array<i64: 256, 768>}]} {
    %get3A = arith.constant 23 : index
    %get3A_0 = memref.load %arg1[%get3A] : memref<128xi32, #tpu.memory_space<smem>>
    %lt3A = arith.cmpi slt, %arg0, %get3A_0 : i32
    %convert_element_type3A = arith.extui %lt3A : i1 to i32
    %cond3A = arith.constant 0 : i32
    %cond3A_1 = arith.cmpi ne, %convert_element_type3A, %cond3A : i32
    scf.if %cond3A_1 {
      %get3A_2 = arith.constant 0 : index
      %get3A_3 = arith.constant 0 : index
      %get3A_4 = vector.load %arg2[%get3A_2, %get3A_3] : memref<256x768xf32, #tpu.memory_space<vmem>>, vector<256x768xf32>
      %get3A_5 = arith.constant 0 : index
      %get3A_6 = arith.constant 0 : index
      %get3A_7 = arith.constant 0 : index
      %get3A_8 = vector.load %arg3[%get3A_5, %get3A_6, %get3A_7] : memref<1x768x1536xf32, #tpu.memory_space<vmem>>, vector<1x768x1536xf32>
      %get3A_9 = vector.shape_cast %get3A_8 : vector<1x768x1536xf32> to vector<768x1536xf32>
      %convert_element_type3A_10 = arith.truncf %get3A_4 : vector<256x768xf32> to vector<256x768xbf16>
      %convert_element_type3A_11 = arith.truncf %get3A_9 : vector<768x1536xf32> to vector<768x1536xbf16>
      %dot_general3A = arith.constant dense<0.000000e+00> : vector<256x1536xf32>
      %dot_general3A_12 = tpu.matmul %convert_element_type3A_10, %convert_element_type3A_11, %dot_general3A {dimension_numbers = #tpu.dot_dimension_numbers<[1], [0], [0], [1], [0, 0, 1, 1], [], []>, transpose_lhs_hint = false} : vector<256x768xbf16>, vector<768x1536xbf16>, vector<256x1536xf32> -> vector<256x1536xf32>
      %get3A_13 = arith.constant 0 : index
      %get3A_14 = arith.constant 0 : index
      %get3A_15 = arith.constant 0 : index
      %get3A_16 = vector.load %arg4[%get3A_13, %get3A_14, %get3A_15] : memref<1x1x1536xf32, #tpu.memory_space<vmem>>, vector<1x1x1536xf32>
      %get3A_17 = vector.shape_cast %get3A_16 : vector<1x1x1536xf32> to vector<1x1536xf32>
      %add3A = vector.broadcast %get3A_17 : vector<1x1536xf32> to vector<256x1536xf32>
      %add3A_18 = arith.addf %dot_general3A_12, %add3A : vector<256x1536xf32>
      %integer_pow3A = arith.mulf %add3A_18, %add3A_18 : vector<256x1536xf32>
      %integer_pow3A_19 = arith.mulf %add3A_18, %integer_pow3A : vector<256x1536xf32>
      %mul3A = arith.constant 4.471500e-02 : f32
      %mul3A_20 = vector.broadcast %mul3A : f32 to vector<256x1536xf32>
      %mul3A_21 = arith.mulf %mul3A_20, %integer_pow3A_19 : vector<256x1536xf32>
      %add3A_22 = arith.addf %add3A_18, %mul3A_21 : vector<256x1536xf32>
      %mul3A_23 = arith.constant 0.797884583 : f32
      %mul3A_24 = vector.broadcast %mul3A_23 : f32 to vector<256x1536xf32>
      %mul3A_25 = arith.mulf %mul3A_24, %add3A_22 : vector<256x1536xf32>
      %tanh3A = math.tanh %mul3A_25 : vector<256x1536xf32>
      %add3A_26 = arith.constant 1.000000e+00 : f32
      %add3A_27 = vector.broadcast %add3A_26 : f32 to vector<256x1536xf32>
      %add3A_28 = arith.addf %add3A_27, %tanh3A : vector<256x1536xf32>
      %mul3A_29 = arith.constant 5.000000e-01 : f32
      %mul3A_30 = vector.broadcast %mul3A_29 : f32 to vector<256x1536xf32>
      %mul3A_31 = arith.mulf %mul3A_30, %add3A_28 : vector<256x1536xf32>
      %mul3A_32 = arith.mulf %add3A_18, %mul3A_31 : vector<256x1536xf32>
      %get3A_33 = arith.constant 0 : index
      %get3A_34 = arith.constant 0 : index
      %get3A_35 = arith.constant 0 : index
      %get3A_36 = vector.load %arg5[%get3A_33, %get3A_34, %get3A_35] : memref<1x1536x768xf32, #tpu.memory_space<vmem>>, vector<1x1536x768xf32>
      %get3A_37 = vector.shape_cast %get3A_36 : vector<1x1536x768xf32> to vector<1536x768xf32>
      %convert_element_type3A_38 = arith.truncf %mul3A_32 : vector<256x1536xf32> to vector<256x1536xbf16>
      %convert_element_type3A_39 = arith.truncf %get3A_37 : vector<1536x768xf32> to vector<1536x768xbf16>
      %dot_general3A_40 = arith.constant dense<0.000000e+00> : vector<256x768xf32>
      %dot_general3A_41 = tpu.matmul %convert_element_type3A_38, %convert_element_type3A_39, %dot_general3A_40 {dimension_numbers = #tpu.dot_dimension_numbers<[1], [0], [0], [1], [0, 0, 1, 1], [], []>, transpose_lhs_hint = false} : vector<256x1536xbf16>, vector<1536x768xbf16>, vector<256x768xf32> -> vector<256x768xf32>
      %get3A_42 = arith.constant 0 : index
      %get3A_43 = arith.constant 0 : index
      %get3A_44 = arith.constant 0 : index
      %get3A_45 = vector.load %arg6[%get3A_42, %get3A_43, %get3A_44] : memref<1x1x768xf32, #tpu.memory_space<vmem>>, vector<1x1x768xf32>
      %get3A_46 = vector.shape_cast %get3A_45 : vector<1x1x768xf32> to vector<1x768xf32>
      %add3A_47 = vector.broadcast %get3A_46 : vector<1x768xf32> to vector<256x768xf32>
      %add3A_48 = arith.addf %dot_general3A_41, %add3A_47 : vector<256x768xf32>
      %swap3A = arith.constant 0 : index
      %swap3A_49 = arith.constant 0 : index
      %swap3A_50 = vector.load %arg7[%swap3A, %swap3A_49] : memref<256x768xf32, #tpu.memory_space<vmem>>, vector<256x768xf32>
      tpu.vector_store %arg7[%swap3A, %swap3A_49], %add3A_48 {strides = array<i32>} : memref<256x768xf32, #tpu.memory_space<vmem>>, vector<256x768xf32>,
    } else {
    }
    return
  }
  func.func @transform_0(%arg0: i32, %arg1: memref<128xi32, #tpu.memory_space<smem>>) -> (i32, i32) {
    %get3A = arith.constant 23 : index
    %get3A_0 = memref.load %arg1[%get3A] : memref<128xi32, #tpu.memory_space<smem>>
    %sub3A = arith.constant 1 : i32
    %sub3A_1 = arith.subi %get3A_0, %sub3A : i32
    %min3A = arith.minsi %arg0, %sub3A_1 : i32
    %c0_i32 = arith.constant 0 : i32
    %c0_i32_2 = arith.constant 0 : i32
    return %min3A, %c0_i32 : i32, i32
  }
  func.func @transform_1(%arg0: i32, %arg1: memref<128xi32, #tpu.memory_space<smem>>) -> (i32, i32, i32) {
    %get3A = arith.index_cast %arg0 : i32 to index
    %get3A_0 = memref.load %arg1[%get3A] : memref<128xi32, #tpu.memory_space<smem>>
    %c0_i32 = arith.constant 0 : i32
    %c0_i32_1 = arith.constant 0 : i32
    %c0_i32_2 = arith.constant 0 : i32
    return %get3A_0, %c0_i32, %c0_i32_1 : i32, i32, i32
  }
  func.func @transform_2(%arg0: i32, %arg1: memref<128xi32, #tpu.memory_space<smem>>) -> (i32, i32, i32) {
    %get3A = arith.index_cast %arg0 : i32 to index
    %get3A_0 = memref.load %arg1[%get3A] : memref<128xi32, #tpu.memory_space<smem>>
    %c0_i32 = arith.constant 0 : i32
    %c0_i32_1 = arith.constant 0 : i32
    %c0_i32_2 = arith.constant 0 : i32
    return %get3A_0, %c0_i32, %c0_i32_1 : i32, i32, i32
  }
  func.func @transform_3(%arg0: i32, %arg1: memref<128xi32, #tpu.memory_space<smem>>) -> (i32, i32, i32) {
    %get3A = arith.index_cast %arg0 : i32 to index
    %get3A_0 = memref.load %arg1[%get3A] : memref<128xi32, #tpu.memory_space<smem>>
    %c0_i32 = arith.constant 0 : i32
    %c0_i32_1 = arith.constant 0 : i32
    %c0_i32_2 = arith.constant 0 : i32
    return %get3A_0, %c0_i32, %c0_i32_1 : i32, i32, i32
  }
  func.func @transform_4(%arg0: i32, %arg1: memref<128xi32, #tpu.memory_space<smem>>) -> (i32, i32, i32) {
    %get3A = arith.index_cast %arg0 : i32 to index
    %get3A_0 = memref.load %arg1[%get3A] : memref<128xi32, #tpu.memory_space<smem>>
    %c0_i32 = arith.constant 0 : i32
    %c0_i32_1 = arith.constant 0 : i32
    %c0_i32_2 = arith.constant 0 : i32
    return %get3A_0, %c0_i32, %c0_i32_1 : i32, i32, i32
  }
  func.func @transform_5(%arg0: i32, %arg1: memref<128xi32, #tpu.memory_space<smem>>) -> (i32, i32) {
    %c0_i32 = arith.constant 0 : i32
    %c0_i32_0 = arith.constant 0 : i32
    return %arg0, %c0_i32 : i32, i32
  }
}

module attributes {stable_mosaic.version = 14 : i64} {
  func.func @_attn_kernel(%arg0: i32, %arg1: i32, %arg2: memref<256x768xf32, #tpu.memory_space<vmem>>, %arg3: memref<768x768xf32, #tpu.memory_space<vmem>>, %arg4: memref<768x768xf32, #tpu.memory_space<vmem>>, %arg5: memref<768x768xf32, #tpu.memory_space<vmem>>, %arg6: memref<768x768xf32, #tpu.memory_space<vmem>>, %arg7: memref<1x768xf32, #tpu.memory_space<vmem>>, %arg8: memref<1x768xf32, #tpu.memory_space<vmem>>, %arg9: memref<1x768xf32, #tpu.memory_space<vmem>>, %arg10: memref<1x768xf32, #tpu.memory_space<vmem>>, %arg11: memref<768x8xf32, #tpu.memory_space<vmem>>, %arg12: memref<256x768xf32, #tpu.memory_space<vmem>>, %arg13: memref<256x768xf32, #tpu.memory_space<vmem>>, %arg14: memref<256x8xf32, #tpu.memory_space<vmem>>, %arg15: memref<768x768xf32, #tpu.memory_space<vmem>>, %arg16: memref<768x768xf32, #tpu.memory_space<vmem>>, %arg17: memref<8x768xf32, #tpu.memory_space<vmem>>) attributes {dimension_semantics = [#tpu.dimension_semantics<arbitrary>, #tpu.dimension_semantics<arbitrary>], iteration_bounds = array<i64: 2, 8>, scalar_prefetch = 0 : i64, scratch_operands = 3 : i64, tpu.core_type = #tpu.core_type<tc>, window_params = [{transform_indices = @transform_0, window_bounds = array<i64: 256, 768>}, {pipeline_mode = #tpu.pipeline_mode<synchronous>, transform_indices = @transform_1, window_bounds = array<i64: 768, 768>}, {pipeline_mode = #tpu.pipeline_mode<synchronous>, transform_indices = @transform_2, window_bounds = array<i64: 768, 768>}, {pipeline_mode = #tpu.pipeline_mode<synchronous>, transform_indices = @transform_3, window_bounds = array<i64: 768, 768>}, {pipeline_mode = #tpu.pipeline_mode<synchronous>, transform_indices = @transform_4, window_bounds = array<i64: 768, 768>}, {pipeline_mode = #tpu.pipeline_mode<synchronous>, transform_indices = @transform_5, window_bounds = array<i64: 1, 768>}, {pipeline_mode = #tpu.pipeline_mode<synchronous>, transform_indices = @transform_6, window_bounds = array<i64: 1, 768>}, {pipeline_mode = #tpu.pipeline_mode<synchronous>, transform_indices = @transform_7, window_bounds = array<i64: 1, 768>}, {pipeline_mode = #tpu.pipeline_mode<synchronous>, transform_indices = @transform_8, window_bounds = array<i64: 1, 768>}, {pipeline_mode = #tpu.pipeline_mode<synchronous>, transform_indices = @transform_9, window_bounds = array<i64: 768, 8>}, {transform_indices = @transform_10, window_bounds = array<i64: 256, 768>}, {transform_indices = @transform_11, window_bounds = array<i64: 256, 768>}, {transform_indices = @transform_12, window_bounds = array<i64: 256, 8>}]} {
    %eq3A = arith.constant 0 : i32
    %eq3A_0 = arith.cmpi eq, %arg0, %eq3A : i32
    %eq3A_1 = arith.constant 0 : i32
    %eq3A_2 = arith.cmpi eq, %arg1, %eq3A_1 : i32
    %and3A = arith.andi %eq3A_0, %eq3A_2 : i1
    %convert_element_type3A = arith.extui %and3A : i1 to i32
    %cond3A = arith.constant 0 : i32
    %cond3A_3 = arith.cmpi ne, %convert_element_type3A, %cond3A : i32
    scf.if %cond3A_3 {
      %broadcast_in_dim3A_49 = arith.constant 0.000000e+00 : f32
      %broadcast_in_dim3A_50 = vector.broadcast %broadcast_in_dim3A_49 : f32 to vector<768x768xf32>
      %swap3A = arith.constant 0 : index
      %swap3A_51 = arith.constant 0 : index
      %swap3A_52 = vector.load %arg15[%swap3A, %swap3A_51] : memref<768x768xf32, #tpu.memory_space<vmem>>, vector<768x768xf32>
      tpu.vector_store %arg15[%swap3A, %swap3A_51], %broadcast_in_dim3A_50 {strides = array<i32>} : memref<768x768xf32, #tpu.memory_space<vmem>>, vector<768x768xf32>,
      %broadcast_in_dim3A_53 = arith.constant 0.000000e+00 : f32
      %broadcast_in_dim3A_54 = vector.broadcast %broadcast_in_dim3A_53 : f32 to vector<8x768xf32>
      %swap3A_55 = arith.constant 0 : index
      %swap3A_56 = arith.constant 0 : index
      %swap3A_57 = vector.load %arg17[%swap3A_55, %swap3A_56] : memref<8x768xf32, #tpu.memory_space<vmem>>, vector<8x768xf32>
      tpu.vector_store %arg17[%swap3A_55, %swap3A_56], %broadcast_in_dim3A_54 {strides = array<i32>} : memref<8x768xf32, #tpu.memory_space<vmem>>, vector<8x768xf32>,
    } else {
    }
    %get3A = arith.constant 0 : index
    %get3A_4 = arith.constant 0 : index
    %get3A_5 = vector.load %arg2[%get3A, %get3A_4] : memref<256x768xf32, #tpu.memory_space<vmem>>, vector<256x768xf32>
    %get3A_6 = arith.constant 0 : index
    %get3A_7 = arith.constant 0 : index
    %get3A_8 = vector.load %arg7[%get3A_6, %get3A_7] : memref<1x768xf32, #tpu.memory_space<vmem>>, vector<1x768xf32>
    %get3A_9 = arith.constant 0 : index
    %get3A_10 = arith.constant 0 : index
    %get3A_11 = vector.load %arg8[%get3A_9, %get3A_10] : memref<1x768xf32, #tpu.memory_space<vmem>>, vector<1x768xf32>
    %reduce_sum3A = arith.constant dense<0.000000e+00> : vector<256xf32>
    %reduce_sum3A_12 = vector.multi_reduction <add>, %get3A_5, %reduce_sum3A [1] : vector<256x768xf32> to vector<256xf32>
    %broadcast_in_dim3A = vector.shape_cast %reduce_sum3A_12 : vector<256xf32> to vector<256x1xf32>
    %div3A = arith.constant 7.680000e+02 : f32
    %div3A_13 = vector.broadcast %div3A : f32 to vector<256x1xf32>
    %div3A_14 = arith.divf %broadcast_in_dim3A, %div3A_13 : vector<256x1xf32>
    %sub3A = vector.broadcast %div3A_14 : vector<256x1xf32> to vector<256x768xf32>
    %sub3A_15 = arith.subf %get3A_5, %sub3A : vector<256x768xf32>
    %integer_pow3A = arith.mulf %sub3A_15, %sub3A_15 : vector<256x768xf32>
    %reduce_sum3A_16 = arith.constant dense<0.000000e+00> : vector<256xf32>
    %reduce_sum3A_17 = vector.multi_reduction <add>, %integer_pow3A, %reduce_sum3A_16 [1] : vector<256x768xf32> to vector<256xf32>
    %broadcast_in_dim3A_18 = vector.shape_cast %reduce_sum3A_17 : vector<256xf32> to vector<256x1xf32>
    %div3A_19 = arith.constant 7.680000e+02 : f32
    %div3A_20 = vector.broadcast %div3A_19 : f32 to vector<256x1xf32>
    %div3A_21 = arith.divf %broadcast_in_dim3A_18, %div3A_20 : vector<256x1xf32>
    %sub3A_22 = vector.broadcast %div3A_14 : vector<256x1xf32> to vector<256x768xf32>
    %sub3A_23 = arith.subf %get3A_5, %sub3A_22 : vector<256x768xf32>
    %add3A = arith.constant 9.99999974E-6 : f32
    %add3A_24 = vector.broadcast %add3A : f32 to vector<256x1xf32>
    %add3A_25 = arith.addf %div3A_21, %add3A_24 : vector<256x1xf32>
    %sqrt3A = math.sqrt %add3A_25 : vector<256x1xf32>
    %div3A_26 = vector.broadcast %sqrt3A : vector<256x1xf32> to vector<256x768xf32>
    %div3A_27 = arith.divf %sub3A_23, %div3A_26 : vector<256x768xf32>
    %mul3A = vector.broadcast %get3A_8 : vector<1x768xf32> to vector<256x768xf32>
    %mul3A_28 = arith.mulf %div3A_27, %mul3A : vector<256x768xf32>
    %add3A_29 = vector.broadcast %get3A_11 : vector<1x768xf32> to vector<256x768xf32>
    %add3A_30 = arith.addf %mul3A_28, %add3A_29 : vector<256x768xf32>
    %eq3A_31 = arith.constant 0 : i32
    %eq3A_32 = arith.cmpi eq, %arg0, %eq3A_31 : i32
    %convert_element_type3A_33 = arith.extui %eq3A_32 : i1 to i32
    %cond3A_34 = arith.constant 0 : i32
    %cond3A_35 = arith.cmpi ne, %convert_element_type3A_33, %cond3A_34 : i32
    scf.if %cond3A_35 {
      %get3A_49 = arith.constant 0 : index
      %get3A_50 = arith.constant 0 : index
      %get3A_51 = vector.load %arg4[%get3A_49, %get3A_50] : memref<768x768xf32, #tpu.memory_space<vmem>>, vector<768x768xf32>
      %dot_general3A = arith.constant dense<0.000000e+00> : vector<256x768xf32>
      %dot_general3A_52 = tpu.matmul %add3A_30, %get3A_51, %dot_general3A {dimension_numbers = #tpu.dot_dimension_numbers<[1], [0], [0], [1], [0, 0, 1, 1], [], []>, transpose_lhs_hint = false} : vector<256x768xf32>, vector<768x768xf32>, vector<256x768xf32> -> vector<256x768xf32>
      %get3A_53 = arith.constant 0 : index
      %get3A_54 = arith.constant 0 : index
      %get3A_55 = vector.load %arg5[%get3A_53, %get3A_54] : memref<768x768xf32, #tpu.memory_space<vmem>>, vector<768x768xf32>
      %dot_general3A_56 = arith.constant dense<0.000000e+00> : vector<256x768xf32>
      %dot_general3A_57 = tpu.matmul %add3A_30, %get3A_55, %dot_general3A_56 {dimension_numbers = #tpu.dot_dimension_numbers<[1], [0], [0], [1], [0, 0, 1, 1], [], []>, transpose_lhs_hint = false} : vector<256x768xf32>, vector<768x768xf32>, vector<256x768xf32> -> vector<256x768xf32>
      %gt3A = arith.constant 0.000000e+00 : f32
      %gt3A_58 = vector.broadcast %gt3A : f32 to vector<256x768xf32>
      %gt3A_59 = arith.cmpf ogt, %dot_general3A_52, %gt3A_58 : vector<256x768xf32>
      %add3A_60 = arith.constant 1.000000e+00 : f32
      %add3A_61 = vector.broadcast %add3A_60 : f32 to vector<256x768xf32>
      %add3A_62 = arith.addf %dot_general3A_52, %add3A_61 : vector<256x768xf32>
      %exp3A = math.exp %dot_general3A_52 : vector<256x768xf32>
      %select_n3A = arith.select %gt3A_59, %add3A_62, %exp3A : vector<256x768xi1>, vector<256x768xf32>
      %get3A_63 = arith.constant 0 : index
      %get3A_64 = arith.constant 0 : index
      %get3A_65 = vector.load %arg15[%get3A_63, %get3A_64] : memref<768x768xf32, #tpu.memory_space<vmem>>, vector<768x768xf32>
      %dot_general3A_66 = arith.constant dense<0.000000e+00> : vector<768x768xf32>
      %dot_general3A_67 = tpu.matmul %select_n3A, %dot_general3A_57, %dot_general3A_66 {dimension_numbers = #tpu.dot_dimension_numbers<[0], [0], [1], [1], [0, 1, 1, 1], [], []>, transpose_lhs_hint = false} : vector<256x768xf32>, vector<256x768xf32>, vector<768x768xf32> -> vector<768x768xf32>
      %add3A_68 = arith.addf %get3A_65, %dot_general3A_67 : vector<768x768xf32>
      %swap3A = arith.constant 0 : index
      %swap3A_69 = arith.constant 0 : index
      %swap3A_70 = vector.load %arg15[%swap3A, %swap3A_69] : memref<768x768xf32, #tpu.memory_space<vmem>>, vector<768x768xf32>
      tpu.vector_store %arg15[%swap3A, %swap3A_69], %add3A_68 {strides = array<i32>} : memref<768x768xf32, #tpu.memory_space<vmem>>, vector<768x768xf32>,
      %get3A_71 = arith.constant 0 : index
      %get3A_72 = arith.constant 0 : index
      %get3A_73 = vector.load %arg17[%get3A_71, %get3A_72] : memref<8x768xf32, #tpu.memory_space<vmem>>, vector<1x768xf32>
      %reduce_sum3A_74 = arith.constant dense<0.000000e+00> : vector<768xf32>
      %reduce_sum3A_75 = vector.multi_reduction <add>, %select_n3A, %reduce_sum3A_74 [0] : vector<256x768xf32> to vector<768xf32>
      %broadcast_in_dim3A_76 = vector.shape_cast %reduce_sum3A_75 : vector<768xf32> to vector<1x768xf32>
      %add3A_77 = arith.addf %get3A_73, %broadcast_in_dim3A_76 : vector<1x768xf32>
      %swap3A_78 = arith.constant 0 : index
      %swap3A_79 = arith.constant 0 : index
      %swap3A_80 = vector.load %arg17[%swap3A_78, %swap3A_79] : memref<8x768xf32, #tpu.memory_space<vmem>>, vector<1x768xf32>
      tpu.vector_store %arg17[%swap3A_78, %swap3A_79], %add3A_77 {strides = array<i32>} : memref<8x768xf32, #tpu.memory_space<vmem>>, vector<1x768xf32>,
    } else {
    }
    %eq3A_36 = arith.constant 0 : i32
    %eq3A_37 = arith.cmpi eq, %arg0, %eq3A_36 : i32
    %eq3A_38 = arith.constant 7 : i32
    %eq3A_39 = arith.cmpi eq, %arg1, %eq3A_38 : i32
    %and3A_40 = arith.andi %eq3A_37, %eq3A_39 : i1
    %convert_element_type3A_41 = arith.extui %and3A_40 : i1 to i32
    %cond3A_42 = arith.constant 0 : i32
    %cond3A_43 = arith.cmpi ne, %convert_element_type3A_41, %cond3A_42 : i32
    scf.if %cond3A_43 {
      %iota3A = tpu.iota {dimensions = array<i32: 0>} : vector<768x768xi32>
      %iota3A_49 = tpu.iota {dimensions = array<i32: 1>} : vector<768x768xi32>
      %jit3A = arith.constant 64 : i32
      %div3A_50 = vector.broadcast %jit3A : i32 to vector<768x768xi32>
      %div3A_51 = arith.divsi %iota3A, %div3A_50 : vector<768x768xi32>
      %sign3A = arith.constant 0 : i32
      %sign3A_52 = vector.broadcast %sign3A : i32 to vector<768x768xi32>
      %sign3A_53 = arith.cmpi sgt, %iota3A, %sign3A_52 : vector<768x768xi32>
      %sign3A_54 = arith.extui %sign3A_53 : vector<768x768xi1> to vector<768x768xi32>
      %sign3A_55 = arith.constant 0 : i32
      %sign3A_56 = vector.broadcast %sign3A_55 : i32 to vector<768x768xi32>
      %sign3A_57 = arith.cmpi slt, %iota3A, %sign3A_56 : vector<768x768xi32>
      %sign3A_58 = arith.extui %sign3A_57 : vector<768x768xi1> to vector<768x768xi32>
      %sign3A_59 = arith.subi %sign3A_54, %sign3A_58 : vector<768x768xi32>
      %sign3A_60 = arith.constant 0 : i32
      %sign3A_61 = arith.cmpi sgt, %jit3A, %sign3A_60 : i32
      %sign3A_62 = arith.extui %sign3A_61 : i1 to i32
      %sign3A_63 = arith.constant 0 : i32
      %sign3A_64 = arith.cmpi slt, %jit3A, %sign3A_63 : i32
      %sign3A_65 = arith.extui %sign3A_64 : i1 to i32
      %sign3A_66 = arith.subi %sign3A_62, %sign3A_65 : i32
      %ne3A = vector.broadcast %sign3A_66 : i32 to vector<768x768xi32>
      %ne3A_67 = arith.cmpi ne, %sign3A_59, %ne3A : vector<768x768xi32>
      %rem3A = vector.broadcast %jit3A : i32 to vector<768x768xi32>
      %rem3A_68 = arith.remsi %iota3A, %rem3A : vector<768x768xi32>
      %ne3A_69 = arith.constant 0 : i32
      %ne3A_70 = vector.broadcast %ne3A_69 : i32 to vector<768x768xi32>
      %ne3A_71 = arith.cmpi ne, %rem3A_68, %ne3A_70 : vector<768x768xi32>
      %and3A_72 = arith.andi %ne3A_67, %ne3A_71 : vector<768x768xi1>
      %sub3A_73 = arith.constant 1 : i32
      %sub3A_74 = vector.broadcast %sub3A_73 : i32 to vector<768x768xi32>
      %sub3A_75 = arith.subi %div3A_51, %sub3A_74 : vector<768x768xi32>
      %select_n3A = arith.select %and3A_72, %sub3A_75, %div3A_51 : vector<768x768xi1>, vector<768x768xi32>
      %jit3A_76 = arith.constant 64 : i32
      %div3A_77 = vector.broadcast %jit3A_76 : i32 to vector<768x768xi32>
      %div3A_78 = arith.divsi %iota3A_49, %div3A_77 : vector<768x768xi32>
      %sign3A_79 = arith.constant 0 : i32
      %sign3A_80 = vector.broadcast %sign3A_79 : i32 to vector<768x768xi32>
      %sign3A_81 = arith.cmpi sgt, %iota3A_49, %sign3A_80 : vector<768x768xi32>
      %sign3A_82 = arith.extui %sign3A_81 : vector<768x768xi1> to vector<768x768xi32>
      %sign3A_83 = arith.constant 0 : i32
      %sign3A_84 = vector.broadcast %sign3A_83 : i32 to vector<768x768xi32>
      %sign3A_85 = arith.cmpi slt, %iota3A_49, %sign3A_84 : vector<768x768xi32>
      %sign3A_86 = arith.extui %sign3A_85 : vector<768x768xi1> to vector<768x768xi32>
      %sign3A_87 = arith.subi %sign3A_82, %sign3A_86 : vector<768x768xi32>
      %sign3A_88 = arith.constant 0 : i32
      %sign3A_89 = arith.cmpi sgt, %jit3A_76, %sign3A_88 : i32
      %sign3A_90 = arith.extui %sign3A_89 : i1 to i32
      %sign3A_91 = arith.constant 0 : i32
      %sign3A_92 = arith.cmpi slt, %jit3A_76, %sign3A_91 : i32
      %sign3A_93 = arith.extui %sign3A_92 : i1 to i32
      %sign3A_94 = arith.subi %sign3A_90, %sign3A_93 : i32
      %ne3A_95 = vector.broadcast %sign3A_94 : i32 to vector<768x768xi32>
      %ne3A_96 = arith.cmpi ne, %sign3A_87, %ne3A_95 : vector<768x768xi32>
      %rem3A_97 = vector.broadcast %jit3A_76 : i32 to vector<768x768xi32>
      %rem3A_98 = arith.remsi %iota3A_49, %rem3A_97 : vector<768x768xi32>
      %ne3A_99 = arith.constant 0 : i32
      %ne3A_100 = vector.broadcast %ne3A_99 : i32 to vector<768x768xi32>
      %ne3A_101 = arith.cmpi ne, %rem3A_98, %ne3A_100 : vector<768x768xi32>
      %and3A_102 = arith.andi %ne3A_96, %ne3A_101 : vector<768x768xi1>
      %sub3A_103 = arith.constant 1 : i32
      %sub3A_104 = vector.broadcast %sub3A_103 : i32 to vector<768x768xi32>
      %sub3A_105 = arith.subi %div3A_78, %sub3A_104 : vector<768x768xi32>
      %select_n3A_106 = arith.select %and3A_102, %sub3A_105, %div3A_78 : vector<768x768xi1>, vector<768x768xi32>
      %eq3A_107 = arith.cmpi eq, %select_n3A, %select_n3A_106 : vector<768x768xi32>
      %convert_element_type3A_108 = arith.extui %eq3A_107 : vector<768x768xi1> to vector<768x768xi32>
      %convert_element_type3A_109 = arith.sitofp %convert_element_type3A_108 : vector<768x768xi32> to vector<768x768xf32>
      %get3A_110 = arith.constant 0 : index
      %get3A_111 = arith.constant 0 : index
      %get3A_112 = vector.load %arg15[%get3A_110, %get3A_111] : memref<768x768xf32, #tpu.memory_space<vmem>>, vector<768x768xf32>
      %mul3A_113 = arith.mulf %get3A_112, %convert_element_type3A_109 : vector<768x768xf32>
      %swap3A = arith.constant 0 : index
      %swap3A_114 = arith.constant 0 : index
      %swap3A_115 = vector.load %arg15[%swap3A, %swap3A_114] : memref<768x768xf32, #tpu.memory_space<vmem>>, vector<768x768xf32>
      tpu.vector_store %arg15[%swap3A, %swap3A_114], %mul3A_113 {strides = array<i32>} : memref<768x768xf32, #tpu.memory_space<vmem>>, vector<768x768xf32>,
      %eq3A_116 = arith.cmpi eq, %iota3A, %iota3A_49 : vector<768x768xi32>
      %convert_element_type3A_117 = arith.extui %eq3A_116 : vector<768x768xi1> to vector<768x768xi32>
      %convert_element_type3A_118 = arith.sitofp %convert_element_type3A_117 : vector<768x768xi32> to vector<768x768xf32>
      %get3A_119 = arith.constant 0 : index
      %get3A_120 = arith.constant 0 : index
      %get3A_121 = vector.load %arg17[%get3A_119, %get3A_120] : memref<8x768xf32, #tpu.memory_space<vmem>>, vector<1x768xf32>
      %mul3A_122 = vector.broadcast %get3A_121 : vector<1x768xf32> to vector<768x768xf32>
      %mul3A_123 = arith.mulf %convert_element_type3A_118, %mul3A_122 : vector<768x768xf32>
      %dot_general3A = arith.constant dense<0.000000e+00> : vector<768x768xf32>
      %dot_general3A_124 = tpu.matmul %mul3A_123, %convert_element_type3A_109, %dot_general3A {dimension_numbers = #tpu.dot_dimension_numbers<[1], [0], [0], [1], [0, 0, 1, 1], [], []>, transpose_lhs_hint = false} : vector<768x768xf32>, vector<768x768xf32>, vector<768x768xf32> -> vector<768x768xf32>
      %swap3A_125 = arith.constant 0 : index
      %swap3A_126 = arith.constant 0 : index
      %swap3A_127 = vector.load %arg16[%swap3A_125, %swap3A_126] : memref<768x768xf32, #tpu.memory_space<vmem>>, vector<768x768xf32>
      tpu.vector_store %arg16[%swap3A_125, %swap3A_126], %dot_general3A_124 {strides = array<i32>} : memref<768x768xf32, #tpu.memory_space<vmem>>, vector<768x768xf32>,
    } else {
    }
    %eq3A_44 = arith.constant 1 : i32
    %eq3A_45 = arith.cmpi eq, %arg0, %eq3A_44 : i32
    %convert_element_type3A_46 = arith.extui %eq3A_45 : i1 to i32
    %cond3A_47 = arith.constant 0 : i32
    %cond3A_48 = arith.cmpi ne, %convert_element_type3A_46, %cond3A_47 : i32
    scf.if %cond3A_48 {
      %get3A_49 = arith.constant 0 : index
      %get3A_50 = arith.constant 0 : index
      %get3A_51 = vector.load %arg3[%get3A_49, %get3A_50] : memref<768x768xf32, #tpu.memory_space<vmem>>, vector<768x768xf32>
      %dot_general3A = arith.constant dense<0.000000e+00> : vector<256x768xf32>
      %dot_general3A_52 = tpu.matmul %add3A_30, %get3A_51, %dot_general3A {dimension_numbers = #tpu.dot_dimension_numbers<[1], [0], [0], [1], [0, 0, 1, 1], [], []>, transpose_lhs_hint = false} : vector<256x768xf32>, vector<768x768xf32>, vector<256x768xf32> -> vector<256x768xf32>
      %gt3A = arith.constant 0.000000e+00 : f32
      %gt3A_53 = vector.broadcast %gt3A : f32 to vector<256x768xf32>
      %gt3A_54 = arith.cmpf ogt, %dot_general3A_52, %gt3A_53 : vector<256x768xf32>
      %add3A_55 = arith.constant 1.000000e+00 : f32
      %add3A_56 = vector.broadcast %add3A_55 : f32 to vector<256x768xf32>
      %add3A_57 = arith.addf %dot_general3A_52, %add3A_56 : vector<256x768xf32>
      %exp3A = math.exp %dot_general3A_52 : vector<256x768xf32>
      %select_n3A = arith.select %gt3A_54, %add3A_57, %exp3A : vector<256x768xi1>, vector<256x768xf32>
      %get3A_58 = arith.constant 0 : index
      %get3A_59 = arith.constant 0 : index
      %get3A_60 = vector.load %arg15[%get3A_58, %get3A_59] : memref<768x768xf32, #tpu.memory_space<vmem>>, vector<768x768xf32>
      %dot_general3A_61 = arith.constant dense<0.000000e+00> : vector<256x768xf32>
      %dot_general3A_62 = tpu.matmul %select_n3A, %get3A_60, %dot_general3A_61 {dimension_numbers = #tpu.dot_dimension_numbers<[1], [0], [0], [1], [0, 0, 1, 1], [], []>, transpose_lhs_hint = false} : vector<256x768xf32>, vector<768x768xf32>, vector<256x768xf32> -> vector<256x768xf32>
      %get3A_63 = arith.constant 0 : index
      %get3A_64 = arith.constant 0 : index
      %get3A_65 = vector.load %arg16[%get3A_63, %get3A_64] : memref<768x768xf32, #tpu.memory_space<vmem>>, vector<768x768xf32>
      %dot_general3A_66 = arith.constant dense<0.000000e+00> : vector<256x768xf32>
      %dot_general3A_67 = tpu.matmul %select_n3A, %get3A_65, %dot_general3A_66 {dimension_numbers = #tpu.dot_dimension_numbers<[1], [0], [0], [1], [0, 0, 1, 1], [], []>, transpose_lhs_hint = false} : vector<256x768xf32>, vector<768x768xf32>, vector<256x768xf32> -> vector<256x768xf32>
      %add3A_68 = arith.constant 9.99999997E-7 : f32
      %add3A_69 = vector.broadcast %add3A_68 : f32 to vector<256x768xf32>
      %add3A_70 = arith.addf %dot_general3A_67, %add3A_69 : vector<256x768xf32>
      %div3A_71 = arith.divf %dot_general3A_62, %add3A_70 : vector<256x768xf32>
      %get3A_72 = arith.constant 0 : index
      %get3A_73 = arith.constant 0 : index
      %get3A_74 = vector.load %arg6[%get3A_72, %get3A_73] : memref<768x768xf32, #tpu.memory_space<vmem>>, vector<768x768xf32>
      %dot_general3A_75 = arith.constant dense<0.000000e+00> : vector<256x768xf32>
      %dot_general3A_76 = tpu.matmul %div3A_71, %get3A_74, %dot_general3A_75 {dimension_numbers = #tpu.dot_dimension_numbers<[1], [0], [0], [1], [0, 0, 1, 1], [], []>, transpose_lhs_hint = false} : vector<256x768xf32>, vector<768x768xf32>, vector<256x768xf32> -> vector<256x768xf32>
      %add3A_77 = arith.addf %get3A_5, %dot_general3A_76 : vector<256x768xf32>
      %swap3A = arith.constant 0 : index
      %swap3A_78 = arith.constant 0 : index
      %swap3A_79 = vector.load %arg12[%swap3A, %swap3A_78] : memref<256x768xf32, #tpu.memory_space<vmem>>, vector<256x768xf32>
      tpu.vector_store %arg12[%swap3A, %swap3A_78], %add3A_77 {strides = array<i32>} : memref<256x768xf32, #tpu.memory_space<vmem>>, vector<256x768xf32>,
      %get3A_80 = arith.constant 0 : index
      %get3A_81 = arith.constant 0 : index
      %get3A_82 = vector.load %arg9[%get3A_80, %get3A_81] : memref<1x768xf32, #tpu.memory_space<vmem>>, vector<1x768xf32>
      %get3A_83 = arith.constant 0 : index
      %get3A_84 = arith.constant 0 : index
      %get3A_85 = vector.load %arg10[%get3A_83, %get3A_84] : memref<1x768xf32, #tpu.memory_space<vmem>>, vector<1x768xf32>
      %reduce_sum3A_86 = arith.constant dense<0.000000e+00> : vector<256xf32>
      %reduce_sum3A_87 = vector.multi_reduction <add>, %add3A_77, %reduce_sum3A_86 [1] : vector<256x768xf32> to vector<256xf32>
      %broadcast_in_dim3A_88 = vector.shape_cast %reduce_sum3A_87 : vector<256xf32> to vector<256x1xf32>
      %div3A_89 = arith.constant 7.680000e+02 : f32
      %div3A_90 = vector.broadcast %div3A_89 : f32 to vector<256x1xf32>
      %div3A_91 = arith.divf %broadcast_in_dim3A_88, %div3A_90 : vector<256x1xf32>
      %sub3A_92 = vector.broadcast %div3A_91 : vector<256x1xf32> to vector<256x768xf32>
      %sub3A_93 = arith.subf %add3A_77, %sub3A_92 : vector<256x768xf32>
      %integer_pow3A_94 = arith.mulf %sub3A_93, %sub3A_93 : vector<256x768xf32>
      %reduce_sum3A_95 = arith.constant dense<0.000000e+00> : vector<256xf32>
      %reduce_sum3A_96 = vector.multi_reduction <add>, %integer_pow3A_94, %reduce_sum3A_95 [1] : vector<256x768xf32> to vector<256xf32>
      %broadcast_in_dim3A_97 = vector.shape_cast %reduce_sum3A_96 : vector<256xf32> to vector<256x1xf32>
      %div3A_98 = arith.constant 7.680000e+02 : f32
      %div3A_99 = vector.broadcast %div3A_98 : f32 to vector<256x1xf32>
      %div3A_100 = arith.divf %broadcast_in_dim3A_97, %div3A_99 : vector<256x1xf32>
      %sub3A_101 = vector.broadcast %div3A_91 : vector<256x1xf32> to vector<256x768xf32>
      %sub3A_102 = arith.subf %add3A_77, %sub3A_101 : vector<256x768xf32>
      %add3A_103 = arith.constant 9.99999974E-6 : f32
      %add3A_104 = vector.broadcast %add3A_103 : f32 to vector<256x1xf32>
      %add3A_105 = arith.addf %div3A_100, %add3A_104 : vector<256x1xf32>
      %sqrt3A_106 = math.sqrt %add3A_105 : vector<256x1xf32>
      %div3A_107 = vector.broadcast %sqrt3A_106 : vector<256x1xf32> to vector<256x768xf32>
      %div3A_108 = arith.divf %sub3A_102, %div3A_107 : vector<256x768xf32>
      %mul3A_109 = vector.broadcast %get3A_82 : vector<1x768xf32> to vector<256x768xf32>
      %mul3A_110 = arith.mulf %div3A_108, %mul3A_109 : vector<256x768xf32>
      %add3A_111 = vector.broadcast %get3A_85 : vector<1x768xf32> to vector<256x768xf32>
      %add3A_112 = arith.addf %mul3A_110, %add3A_111 : vector<256x768xf32>
      %swap3A_113 = arith.constant 0 : index
      %swap3A_114 = arith.constant 0 : index
      %swap3A_115 = vector.load %arg13[%swap3A_113, %swap3A_114] : memref<256x768xf32, #tpu.memory_space<vmem>>, vector<256x768xf32>
      tpu.vector_store %arg13[%swap3A_113, %swap3A_114], %add3A_112 {strides = array<i32>} : memref<256x768xf32, #tpu.memory_space<vmem>>, vector<256x768xf32>,
      %get3A_116 = arith.constant 0 : index
      %get3A_117 = arith.constant 0 : index
      %get3A_118 = vector.load %arg11[%get3A_116, %get3A_117] : memref<768x8xf32, #tpu.memory_space<vmem>>, vector<768x8xf32>
      %dot_general3A_119 = arith.constant dense<0.000000e+00> : vector<256x8xf32>
      %dot_general3A_120 = tpu.matmul %add3A_112, %get3A_118, %dot_general3A_119 {dimension_numbers = #tpu.dot_dimension_numbers<[1], [0], [0], [1], [0, 0, 1, 1], [], []>, transpose_lhs_hint = false} : vector<256x768xf32>, vector<768x8xf32>, vector<256x8xf32> -> vector<256x8xf32>
      %swap3A_121 = arith.constant 0 : index
      %swap3A_122 = arith.constant 0 : index
      %swap3A_123 = vector.load %arg14[%swap3A_121, %swap3A_122] : memref<256x8xf32, #tpu.memory_space<vmem>>, vector<256x8xf32>
      tpu.vector_store %arg14[%swap3A_121, %swap3A_122], %dot_general3A_120 {strides = array<i32>} : memref<256x8xf32, #tpu.memory_space<vmem>>, vector<256x8xf32>,
    } else {
    }
    return
  }
  func.func @transform_0(%arg0: i32, %arg1: i32) -> (i32, i32) {
    %c0_i32 = arith.constant 0 : i32
    %c0_i32_0 = arith.constant 0 : i32
    return %arg1, %c0_i32 : i32, i32
  }
  func.func @transform_1(%arg0: i32, %arg1: i32) -> (i32, i32) {
    %c0_i32 = arith.constant 0 : i32
    %c0_i32_0 = arith.constant 0 : i32
    %c0_i32_1 = arith.constant 0 : i32
    return %c0_i32, %c0_i32_0 : i32, i32
  }
  func.func @transform_2(%arg0: i32, %arg1: i32) -> (i32, i32) {
    %c0_i32 = arith.constant 0 : i32
    %c0_i32_0 = arith.constant 0 : i32
    %c0_i32_1 = arith.constant 0 : i32
    return %c0_i32, %c0_i32_0 : i32, i32
  }
  func.func @transform_3(%arg0: i32, %arg1: i32) -> (i32, i32) {
    %c0_i32 = arith.constant 0 : i32
    %c0_i32_0 = arith.constant 0 : i32
    %c0_i32_1 = arith.constant 0 : i32
    return %c0_i32, %c0_i32_0 : i32, i32
  }
  func.func @transform_4(%arg0: i32, %arg1: i32) -> (i32, i32) {
    %c0_i32 = arith.constant 0 : i32
    %c0_i32_0 = arith.constant 0 : i32
    %c0_i32_1 = arith.constant 0 : i32
    return %c0_i32, %c0_i32_0 : i32, i32
  }
  func.func @transform_5(%arg0: i32, %arg1: i32) -> (i32, i32) {
    %c0_i32 = arith.constant 0 : i32
    %c0_i32_0 = arith.constant 0 : i32
    %c0_i32_1 = arith.constant 0 : i32
    return %c0_i32, %c0_i32_0 : i32, i32
  }
  func.func @transform_6(%arg0: i32, %arg1: i32) -> (i32, i32) {
    %c0_i32 = arith.constant 0 : i32
    %c0_i32_0 = arith.constant 0 : i32
    %c0_i32_1 = arith.constant 0 : i32
    return %c0_i32, %c0_i32_0 : i32, i32
  }
  func.func @transform_7(%arg0: i32, %arg1: i32) -> (i32, i32) {
    %c0_i32 = arith.constant 0 : i32
    %c0_i32_0 = arith.constant 0 : i32
    %c0_i32_1 = arith.constant 0 : i32
    return %c0_i32, %c0_i32_0 : i32, i32
  }
  func.func @transform_8(%arg0: i32, %arg1: i32) -> (i32, i32) {
    %c0_i32 = arith.constant 0 : i32
    %c0_i32_0 = arith.constant 0 : i32
    %c0_i32_1 = arith.constant 0 : i32
    return %c0_i32, %c0_i32_0 : i32, i32
  }
  func.func @transform_9(%arg0: i32, %arg1: i32) -> (i32, i32) {
    %c0_i32 = arith.constant 0 : i32
    %c0_i32_0 = arith.constant 0 : i32
    %c0_i32_1 = arith.constant 0 : i32
    return %c0_i32, %c0_i32_0 : i32, i32
  }
  func.func @transform_10(%arg0: i32, %arg1: i32) -> (i32, i32) {
    %mul3A = arith.muli %arg1, %arg0 : i32
    %c0_i32 = arith.constant 0 : i32
    %c0_i32_0 = arith.constant 0 : i32
    return %mul3A, %c0_i32 : i32, i32
  }
  func.func @transform_11(%arg0: i32, %arg1: i32) -> (i32, i32) {
    %mul3A = arith.muli %arg1, %arg0 : i32
    %c0_i32 = arith.constant 0 : i32
    %c0_i32_0 = arith.constant 0 : i32
    return %mul3A, %c0_i32 : i32, i32
  }
  func.func @transform_12(%arg0: i32, %arg1: i32) -> (i32, i32) {
    %mul3A = arith.muli %arg1, %arg0 : i32
    %c0_i32 = arith.constant 0 : i32
    %c0_i32_0 = arith.constant 0 : i32
    return %mul3A, %c0_i32 : i32, i32
  }
}

module attributes {stable_mosaic.version = 14 : i64} {
  func.func @_combine_kernel(%arg0: i32, %arg1: memref<512x768xf32, #tpu.memory_space<vmem>>, %arg2: memref<1x512x768xf32, #tpu.memory_space<vmem>>, %arg3: memref<1x512x768xf32, #tpu.memory_space<vmem>>, %arg4: memref<512x1xf32, #tpu.memory_space<vmem>>, %arg5: memref<512x1xf32, #tpu.memory_space<vmem>>, %arg6: memref<512x768xf32, #tpu.memory_space<vmem>>) attributes {dimension_semantics = [#tpu.dimension_semantics<arbitrary>], iteration_bounds = array<i64: 4>, scalar_prefetch = 0 : i64, scratch_operands = 0 : i64, tpu.core_type = #tpu.core_type<tc>, window_params = [{transform_indices = @transform_0, window_bounds = array<i64: 512, 768>}, {transform_indices = @transform_1, window_bounds = array<i64: 1, 512, 768>}, {transform_indices = @transform_2, window_bounds = array<i64: 1, 512, 768>}, {transform_indices = @transform_3, window_bounds = array<i64: 512, 1>}, {transform_indices = @transform_4, window_bounds = array<i64: 512, 1>}, {transform_indices = @transform_5, window_bounds = array<i64: 512, 768>}]} {
    %get3A = arith.constant 0 : index
    %get3A_0 = arith.constant 0 : index
    %get3A_1 = vector.load %arg1[%get3A, %get3A_0] : memref<512x768xf32, #tpu.memory_space<vmem>>, vector<512x768xf32>
    %get3A_2 = arith.constant 0 : index
    %get3A_3 = arith.constant 0 : index
    %get3A_4 = vector.load %arg4[%get3A_2, %get3A_3] : memref<512x1xf32, #tpu.memory_space<vmem>>, vector<512x1xf32>
    %get3A_5 = arith.constant 0 : index
    %get3A_6 = arith.constant 0 : index
    %get3A_7 = arith.constant 0 : index
    %get3A_8 = vector.load %arg2[%get3A_5, %get3A_6, %get3A_7] : memref<1x512x768xf32, #tpu.memory_space<vmem>>, vector<1x512x768xf32>
    %get3A_9 = vector.shape_cast %get3A_8 : vector<1x512x768xf32> to vector<512x768xf32>
    %mul3A = vector.broadcast %get3A_4 : vector<512x1xf32> to vector<512x768xf32>
    %mul3A_10 = arith.mulf %mul3A, %get3A_9 : vector<512x768xf32>
    %add3A = arith.addf %get3A_1, %mul3A_10 : vector<512x768xf32>
    %get3A_11 = arith.constant 0 : index
    %get3A_12 = arith.constant 0 : index
    %get3A_13 = vector.load %arg5[%get3A_11, %get3A_12] : memref<512x1xf32, #tpu.memory_space<vmem>>, vector<512x1xf32>
    %get3A_14 = arith.constant 0 : index
    %get3A_15 = arith.constant 0 : index
    %get3A_16 = arith.constant 0 : index
    %get3A_17 = vector.load %arg3[%get3A_14, %get3A_15, %get3A_16] : memref<1x512x768xf32, #tpu.memory_space<vmem>>, vector<1x512x768xf32>
    %get3A_18 = vector.shape_cast %get3A_17 : vector<1x512x768xf32> to vector<512x768xf32>
    %mul3A_19 = vector.broadcast %get3A_13 : vector<512x1xf32> to vector<512x768xf32>
    %mul3A_20 = arith.mulf %mul3A_19, %get3A_18 : vector<512x768xf32>
    %add3A_21 = arith.addf %add3A, %mul3A_20 : vector<512x768xf32>
    %swap3A = arith.constant 0 : index
    %swap3A_22 = arith.constant 0 : index
    %swap3A_23 = vector.load %arg6[%swap3A, %swap3A_22] : memref<512x768xf32, #tpu.memory_space<vmem>>, vector<512x768xf32>
    tpu.vector_store %arg6[%swap3A, %swap3A_22], %add3A_21 {strides = array<i32>} : memref<512x768xf32, #tpu.memory_space<vmem>>, vector<512x768xf32>,
    return
  }
  func.func @transform_0(%arg0: i32) -> (i32, i32) {
    %c0_i32 = arith.constant 0 : i32
    %c0_i32_0 = arith.constant 0 : i32
    return %arg0, %c0_i32 : i32, i32
  }
  func.func @transform_1(%arg0: i32) -> (i32, i32, i32) {
    %c0_i32 = arith.constant 0 : i32
    %c0_i32_0 = arith.constant 0 : i32
    %c0_i32_1 = arith.constant 0 : i32
    return %c0_i32, %arg0, %c0_i32_0 : i32, i32, i32
  }
  func.func @transform_2(%arg0: i32) -> (i32, i32, i32) {
    %c1_i32 = arith.constant 1 : i32
    %c0_i32 = arith.constant 0 : i32
    %c0_i32_0 = arith.constant 0 : i32
    return %c1_i32, %arg0, %c0_i32 : i32, i32, i32
  }
  func.func @transform_3(%arg0: i32) -> (i32, i32) {
    %c0_i32 = arith.constant 0 : i32
    %c0_i32_0 = arith.constant 0 : i32
    return %arg0, %c0_i32 : i32, i32
  }
  func.func @transform_4(%arg0: i32) -> (i32, i32) {
    %c0_i32 = arith.constant 0 : i32
    %c0_i32_0 = arith.constant 0 : i32
    return %arg0, %c0_i32 : i32, i32
  }
  func.func @transform_5(%arg0: i32) -> (i32, i32) {
    %c0_i32 = arith.constant 0 : i32
    %c0_i32_0 = arith.constant 0 : i32
    return %arg0, %c0_i32 : i32, i32
  }
}

</mosaic_0001>

<sc_bundles>
// kernel: kernel.11.cloned.1.call-start
scs
__scs_entry_jumppad:
0x0: {  	(pc) =	sbr.rel $0x88, $3  }
0x1: {  	(tag) =	ssettag $0x0;
	lr =	simm.s32 $0x1  }
0x2: {  	[smem:$0x3F93] =	sst lr;
	_ =	strace $0xD0000000  }
0x3: {  	_ = 	snop  }
0x4: {  	_ = 	snop  }
0x5: {  	_ = 	snop  }
0x6: {  	_ = 	snop  }
0x7: {  	_ = 	snop  }
__scs_overlays_trampoline_lowered:
0x8: {  	[smem:$0x3FA2] =	sst s0  }
0x9: {  	[smem:$0x3FA3] =	sst s1  }
0xa: {  	[smem:$0x3FA4] =	sst s2  }
0xb: {  	[smem:$0x3FA5] =	sst s3  }
0xc: {  	[smem:$0x3FA6] =	sst s4  }
0xd: {  	[smem:$0x3FA7] =	sst s5  }
0xe: {  	[smem:$0x3FA8] =	sst s6  }
0xf: {  	[smem:$0x3FA9] =	sst s7  }
0x10: {  	[smem:$0x3FAA] =	sst s8  }
0x11: {  	[smem:$0x3FAB] =	sst s9;
	s0 =	simm.s32 @!p0 $0x0  }
0x12: {  	s1 =	sld [smem:$0x3F91];
	s0 =	simm.s32 @p0 $0x1  }
0x13: {  	[smem:$0x3FAC] =	sst s0;
	s0 =	simm.s32 @!p1 $0x0  }
0x14: {  	s2 =	sld [smem:$0x3F90];
	s0 =	simm.s32 @p1 $0x1  }
0x15: {  	[smem:$0x3FAD] =	sst s0;
	s0 =	simm.s32 @!p2 $0x0  }
0x16: {  	s3 =	sld [smem:$0x3FDB];
	s0 =	simm.s32 @p2 $0x1  }
0x17: {  	s4 =	simm.s32 $0x1BF5;
	[smem:$0x3FAF] =	sst s0  }
0x18: {  	s0 =	sld [smem:$0x3F92];
	_ =	swait.ge [sflag:s4], $0x0  }
0x19: {  	s7 =	sld [smem:$0x3F93]  }
0x1a: {  	s8 =	sadd.s32 $0xFFFFE003, lr  }
0x1b: {  	s9 =	sadd.s32 $0xFFFFFEF7, lr;
	s5 =	simm.s32 $0xFFFFFFFF;
	p2 =	slt.u32 s8, $0xFFFFF086  }
0x1c: {  	p1 =	slt.u32 s9, $0xF7A;
	s5 =	simm.s32 @!p2 $0x0  }
0x1d: {  	s5 =	simm.s32 @p1 $0x1;
	p0 =	seq.s32 s7, s2  }
0x1e: {  	s7 =	smul.u32 @!p0 $0xF7A, s2;
	p2 =	seq.s32 @!p0 s5, $0x0  }
0x1f: {  	s9 =	smul.u32 $0xF7A, s1;
	s8 =	simm.s32 @!p0 $0x1BF5;
	p2 =	por !p2, p0  }
0x20: {  	[sflag:s8] =	ssyncset.s32 @!p0 $0xFFFFF086;
	s6 =	sadd.s32 @!p0 s3, s7;
	s7 =	simm.s32 @!p0 $0x108  }
0x21: {  	s3 =	sadd.s32 s3, s9;
	s6 =	sadd.s32 @!p0 $0x88, s6;
	s7 =	simm.s32 @p2 $0x1082  }
0x22: {  	[simem:s7], [sflag:s8] =	dma.local @!p0 [hbm:s6], $0xF7A  }
0x23: {  	s9 =	sor.u32 $0xD0000000, s2;
	s6 =	simm.s32 $0x108;
	_ =	swait.ge @!p0 [sflag:s8], $0x0  }
0x24: {  	s3 =	sadd.s32 $0x88, s3;
	s6 =	simm.s32 @!p1 $0x1082;
	[sflag:s4] =	ssyncset.s32 $0xFFFFF086  }
0x25: {  	[simem:s6], [sflag:s4] =	dma.local [hbm:s3], $0xF7A  }
0x26: {  	[smem:$0x3F93] =	sst s1;
	(tag) =	ssettag s2;
	_ =	strace s9  }
0x27: {  	s1 =	sld [smem:$0x3FA3]  }
0x28: {  	s2 =	sld [smem:$0x3FA4]  }
0x29: {  	s4 =	sld [smem:$0x3FA6]  }
0x2a: {  	p0 =	seq.s32 s5, $0x0;
	s5 =	sld [smem:$0x3FA7]  }
0x2b: {  	s6 =	sld [smem:$0x3FA8]  }
0x2c: {  	s7 =	sld [smem:$0x3FA9]  }
0x2d: {  	s3 =	simm.s32 $0x108;
	s8 =	sld [smem:$0x3FAA]  }
0x2e: {  	s3 =	simm.s32 @!p0 $0x1082;
	s9 =	sld [smem:$0x3FAB]  }
0x2f: {  	lr =	sadd.s32 s0, s3;
	s0 =	sld [smem:$0x3FA2]  }
0x30: {  	s3 =	sld [smem:$0x3FA5]  }
0x31: {  	[smem:$0x3FAE] =	sst s10  }
0x32: {  	s10 =	sld [smem:$0x3FAC];
	_ =	sdelay $0x3  }
0x33: {  	p0 =	seq.s32 s10, $0x1;
	s10 =	sld [smem:$0x3FAE];
	_ =	sdelay $0x3  }
0x34: {  	[smem:$0x3FAE] =	sst s10  }
0x35: {  	s10 =	sld [smem:$0x3FAD];
	_ =	sdelay $0x3  }
0x36: {  	p1 =	seq.s32 s10, $0x1;
	s10 =	sld [smem:$0x3FAE];
	_ =	sdelay $0x3  }
0x37: {  	[smem:$0x3FAE] =	sst s10  }
0x38: {  	s10 =	sld [smem:$0x3FAF]  }
0x39: {  	_ = 	snop;
	(pc) =	sbr.ind lr, $3  }
0x3a: {  	_ = 	snop  }
0x3b: {  	_ = 	snop  }
0x3c: {  	p2 =	seq.s32 s10, $0x1;
	s10 =	sld [smem:$0x3FAE]  }
0x3d: {  	_ =	shalt  }
0x3e: {  	_ =	shalt  }
0x3f: {  	_ =	shalt  }
0x40: {  	_ =	shalt  }
0x41: {  	_ =	shalt  }
0x42: {  	_ =	shalt  }
0x43: {  	_ =	shalt  }
0x44: {  	_ =	shalt  }
0x45: {  	_ =	shalt  }
0x46: {  	_ =	shalt  }
0x47: {  	_ =	shalt  }
0x48: {  	_ =	shalt  }
0x49: {  	_ =	shalt  }
0x4a: {  	_ =	shalt  }
0x4b: {  	_ =	shalt  }
0x4c: {  	_ =	shalt  }
0x4d: {  	_ =	shalt  }
0x4e: {  	_ =	shalt  }
0x4f: {  	_ =	shalt  }
0x50: {  	_ =	shalt  }
0x51: {  	_ =	shalt  }
0x52: {  	_ =	shalt  }
0x53: {  	_ =	shalt  }
0x54: {  	_ =	shalt  }
0x55: {  	_ =	shalt  }
0x56: {  	_ =	shalt  }
0x57: {  	_ =	shalt  }
0x58: {  	_ =	shalt  }
0x59: {  	_ =	shalt  }
0x5a: {  	_ =	shalt  }
0x5b: {  	_ =	shalt  }
0x5c: {  	_ =	shalt  }
0x5d: {  	_ =	shalt  }
0x5e: {  	_ =	shalt  }
0x5f: {  	_ =	shalt  }
0x60: {  	_ =	shalt  }
0x61: {  	_ =	shalt  }
0x62: {  	_ =	shalt  }
0x63: {  	_ =	shalt  }
0x64: {  	_ =	shalt  }
0x65: {  	_ =	shalt  }
0x66: {  	_ =	shalt  }
0x67: {  	_ =	shalt  }
0x68: {  	_ =	shalt  }
0x69: {  	_ =	shalt  }
0x6a: {  	_ =	shalt  }
0x6b: {  	_ =	shalt  }
0x6c: {  	_ =	shalt  }
0x6d: {  	_ =	shalt  }
0x6e: {  	_ =	shalt  }
0x6f: {  	_ =	shalt  }
0x70: {  	_ =	shalt  }
0x71: {  	_ =	shalt  }
0x72: {  	_ =	shalt  }
0x73: {  	_ =	shalt  }
0x74: {  	_ =	shalt  }
0x75: {  	_ =	shalt  }
0x76: {  	_ =	shalt  }
0x77: {  	_ =	shalt  }
0x78: {  	_ =	shalt  }
0x79: {  	_ =	shalt  }
0x7a: {  	_ =	shalt  }
0x7b: {  	_ =	shalt  }
0x7c: {  	_ =	shalt  }
0x7d: {  	_ =	shalt  }
0x7e: {  	_ =	shalt  }
0x7f: {  	_ =	shalt  }
0x80: {  	_ =	shalt  }
0x81: {  	_ =	shalt  }
0x82: {  	_ =	shalt  }
0x83: {  	_ =	shalt  }
0x84: {  	_ =	shalt  }
0x85: {  	_ =	shalt  }
0x86: {  	_ =	shalt  }
0x87: {  	_ =	shalt  }
.Lfunc_end0:
.L_simem_size_0:
called_computation.1_lowered:
.L_overlay_start_0:
0x88: {  	s2 =	sld [smem:$0x3FD9]  }
0x89: {  	s3 =	sld [smem:$0x3FFE];
	_ =	sdelay $0x1  }
0x8a: {  	s1 =	srdreg.scid  }
0x8b: {  	s0 =	sand.u32 $0x1, s1  }
0x8c: {  	s16 =	sshll.u32 s0, $0xA;
	s2 =	sadd.s32 s3, s2  }
0x8d: {  	s2 =	sadd.s32 s2, s16  }
0x8e: {  	[smem:$0x3FBA] =	sst s2  }
0x8f: {  	_ = 	snop  }
0x90: {  	(tm) =	ssettm $0x1  }
0x91: {  	s17 =	sld [smem:$0x3FFB];
	_ =	sdelay $0x3  }
0x92: {  	_ =	strace s17  }
0x93: {  	s2 =	sld [smem:$0x3FFC];
	_ =	sdelay $0x3  }
0x94: {  	_ =	strace s2  }
0x95: {  	s2 =	sld [smem:$0x3FFD];
	_ =	sdelay $0x3  }
0x96: {  	_ =	strace s2  }
0x97: {  	_ =	strace $0x8FFFFFFF  }
0x98: {  	s18 =	sld [smem:$0x3FDB];
	_ =	sdelay $0x1  }
0x99: {  	s19 =	simm.s32 $_scs_section_size  }
0x9a: {  	s4 =	simm.s32 $_size__tile_overlayer_lowered;
	s5 =	simm.s32 $_tile_overlayer_lowered  }
0x9b: {  	s22 =	simm.s32 $0x1BFF;
	s21 =	sshll.u32 s5, $0x1;
	s2 =	sadd.s32 s19, s18  }
0x9c: {  	s6 =	simm.s32 $0x0;
	s20 =	sshll.u32 s4, $0x1;
	s4 =	sadd.s32 s21, s2  }
0x9d: {  	[timem:s6], [sflag:s22] =	dma.local [hbm:s4], s20  }
0x9e: {  	_ =	swait.ge [sflag:s22], s20  }
0x9f: {  	s3 =	ssub.s32 $0x0, s20;
	[sflag:s22] =	ssyncset.done $0x0  }
0xa0: {  	[sflag:s22] =	ssyncadd.s32 s3;
	_ =	sdelay $0x1  }
0xa1: {  	s23 =	simm.s32 $0x1B8B  }
0xa2: {  	_ =	swait.ge [sflag:s23], $0x1  }
0xa3: {  	[sflag:s23] =	ssyncset.done $0x0  }
0xa4: {  	s25 =	simm.s32 $0x1B8E;
	s24 =	sld [smem:$0x3FFE];
	[sflag:s23] =	ssyncadd.s32 $0xFFFFFFFF  }
0xa5: {  	s26 =	simm.s32 $execute0_lowered;
	[smem:$0x3FD2] =	sst s25  }
0xa6: {  	s4 =	sshll.u32 s26, $0x1;
	_ =	strace $0x80000049;
	[dreg:$0x1] =	wrdreg $0xFFFFFFFF  }
0xa7: {  	s28 =	simm.s32 $_size_execute0_lowered;
	s2 =	sadd.s32 s2, s4;
	[dreg:$0x0] =	wrdreg $0x0  }
0xa8: {  	s4 =	sshll.u32 s28, $0x1;
	[dreg:$0x2] =	wrdreg s2  }
0xa9: {  	[dreg:$0x3] =	wrdreg s4  }
0xaa: {  	[dreg:$0x4] =	wrdreg $0xC0  }
0xab: {  	_ =	task [dreg:s6], $0x5FFFF  }
0xac: {  	[dreg:$0x1] =	wrdreg $0xFFFFFFFF  }
0xad: {  	[dreg:$0x0] =	wrdreg $0x60  }
0xae: {  	[dreg:$0x2] =	wrdreg s24  }
0xaf: {  	[dreg:$0x3] =	wrdreg $0x9  }
0xb0: {  	_ =	task.clear_ibuf [dreg:s6], $0x4FFFF;
	_ =	strace $0x90000049  }
0xb1: {  	s29 =	simm.s32 $0x9;
	_ =	strace $0x8000004B  }
0xb2: {  	_ =	swait.ge [sflag:s29], $0x1  }
0xb3: {  	[sflag:s29] =	ssyncadd.s32 $0xFFFFFFFF  }
0xb4: {  	_ =	strace $0x9000004B  }
0xb5: {  	_ =	sfence  }
0xb6: {  	s30 =	sld [smem:$0x0];
	_ =	sdelay $0x2  }
0xb7: {  	s31 =	sshll.u32 s1, $0xD;
	s1 =	sshrl.u32 s1, $0x2  }
0xb8: {  	s3 =	sand.u32 $0x4000, s31;
	s1 =	sadd.s32 s1, s30  }
0xb9: {  	s0 =	sor.u32 s3, s0;
	s1 =	sshll.u32 s1, $0x11  }
0xba: {  	s0 =	sor.u32 s1, s0  }
0xbb: {  	s0 =	sadd.s32 $0x8F2B, s0  }
0xbc: {  	[sflag:s0] =	ssyncadd.remote.s32 $0x1  }
0xbd: {  	_ =	sfence.sel $0xFFFF  }
0xbe: {  	[dreg:$0x0] =	wrdreg $0xFFFFFFFF;
	(pc) =	sbr.abs _section_cstart, $3  }
0xbf: {  	[dreg:$0x1] =	wrdreg $0xFFFFFFFF  }
0xc0: {  	_ =	task.clear_ibuf [dreg:s6], $0x2FFFF;
	_ =	strace $0x9FFFFFFF  }
0xc1: {  	(tm) =	ssettm $0x7FFFFFFF  }
tec
execute0_lowered:
.L_overlay_start_1:
0x0: {  	(tag) =	ssettag $0x1  }
0x1: {  	s0 =	srdreg.scid;
	s2 =	stileid.u32  }
0x2: {  	s1 =	rddreg [dreg:$0x0];
	s10 =	simm.s32 $0x880;
	s11 =	simm.s32 $0x1080  }
0x3: {  	s12 =	simm.s32 $0x1880;
	s13 =	simm.s32 $0x2080;
	s14 =	simm.s32 $0x2880  }
0x4: {  	s15 =	simm.s32 $0x3080;
	s16 =	simm.s32 $0x3880;
	s17 =	simm.s32 $0x4080  }
0x5: {  	s18 =	simm.s32 $0x4880;
	s19 =	simm.s32 $0x5080;
	s20 =	simm.s32 $0x5880  }
0x6: {  	s21 =	simm.s32 $0x6080;
	s22 =	simm.s32 $0x6880;
	s23 =	simm.s32 $0x7080  }
0x7: {  	s28 =	simm.s32 $0x9080;
	s29 =	simm.s32 $0x9880;
	s30 =	simm.s32 $0xA080  }
0x8: {  	s0 =	sand.u32 $0x1, s0;
	s3 =	sshll.u32 s2, $0x4;
	s2 =	simm.s32 $0x0  }
0x9: {  	s31 =	simm.s32 $0xA880;
	s4 =	sshll.u32 s0, $0x3;
	[smem:$0x7FF] =	sst s2  }
0xa: {  	s0 =	ssub.s32 $0x2, s0;
	s4 =	sor.u32 s4, s3;
	_ =	strace $0x8000004A  }
0xb: {  	s7 =	sshrl.u32 s0, $0x1;
	s24 =	smul.u32 $0x300, s4;
	s4 =	sadd.s32 s4, s1  }
0xc: {  	s3 =	sadd.s32 $0x1600, s1;
	s0 =	ssub.s32 s0, s7;
	s6 =	sadd.s32 $0x1200, s4  }
0xd: {  	s7 =	simm.s32 $0x2;
	s25 =	sadd.s32 $0x1400, s4;
	[dreg:$0x2] =	wrdreg s6  }
0xe: {  	s4 =	sadd.s32 $0x1700, s1;
	s5 =	sadd.s32 s24, s1;
	[dreg:$0x4] =	wrdreg s25  }
0xf: {  	s6 =	smax.u32 s0, $0x1;
	s0 =	simm.s32 $0x1;
	s5 =	sadd.s32 $0x91600, s5  }
0x10: {  	v2 =	vlaneseq.u32;
	[dreg:$0x3] =	wrdreg s5;
	s5 =	sadd.s32 $0x1800, s1;
	s1 =	sadd.s32 $0xC1600, s1  }
0x11: {  	vm0 =	vmmov $0xffff;
	v1 =	vshrl.u32 v2, $0x3;
	s25 =	simm.s32 $0x8080;
	s26 =	sadd.s32 s24, s1;
	s1 =	simm.s32 $0x80  }
0x12: {  	v0 =	vand.u32 $0x7, v2;
	v2 =	vor.u32 $0x8, v2;
	v1 =	vmul.u32 $0x8, v1;
	s24 =	simm.s32 $0x7880;
	[dreg:$0x5] =	wrdreg s26;
	s26 =	simm.s32 $0x8880  }
.LBB2_1:
0x13: {  	s9 =	rddreg [dreg:$0x2]  }
0x14: {  	[tilespmem:s2], [sflag:$0x2] =	stream.linear.gather [hbm4b:s9+s2], $0x40, $0x38;
	[tilespmem:$0xC080] =	vst v63  }
0x15: {  	_ =	swait.ge [sflag:s7], $0x40  }
0x16: {  	[sflag:s7] =	ssyncset.done $0x0  }
0x17: {  	[sflag:s7] =	ssyncadd.s32 $0xFFFFFFC0  }
0x18: {  	v3 =	vld [tilespmem:$0x0];
	_ =	sdelay $0x4  }
0x19: {  	v4 =	vshrl.u32 v3, $0x3  }
0x1a: {  	v4 =	vmul.u32 $0x30, v4  }
0x1b: {  	v3 =	vand.u32 $0x7, v3  }
0x1c: {  	v3 =	vor.u32 v3, v4  }
0x1d: {  	v4 =	vperm.xlane v3, v0;
	_ =	sdelay $0x1  }
0x1e: {  	v4 =	vadd.s32 v1, v4;
	_ =	sdelay $0x3  }
0x1f: {  	v3 =	vperm.xlane v3, v2  }
0x20: {  	[tilespmem:s1], [sflag:$0x1] =	stream.indirect_vreg.gather [hbm4b:s3+s2], $0x80, v4, vm0, $0xb8;
	[tilespmem:$0xC080] =	vst v63  }
0x21: {  	v3 =	vadd.s32 v1, v3  }
0x22: {  	[tilespmem:s10], [sflag:$0x1] =	stream.indirect_vreg.gather [hbm4b:s4+s2], $0x80, v4, vm0, $0xb8;
	[tilespmem:$0xC080] =	vst v63  }
0x23: {  	_ = 	snop  }
0x24: {  	[tilespmem:s11], [sflag:$0x1] =	stream.indirect_vreg.gather [hbm4b:s5+s2], $0x80, v4, vm0, $0xb8;
	[tilespmem:$0xC080] =	vst v63  }
0x25: {  	_ = 	snop  }
0x26: {  	[tilespmem:s12], [sflag:$0x1] =	stream.indirect_vreg.gather [hbm4b:s3+s2], $0x80, v3, vm0, $0xb8;
	[tilespmem:$0xC080] =	vst v63  }
0x27: {  	_ = 	snop  }
0x28: {  	[tilespmem:s13], [sflag:$0x1] =	stream.indirect_vreg.gather [hbm4b:s4+s2], $0x80, v3, vm0, $0xb8;
	[tilespmem:$0xC080] =	vst v63  }
0x29: {  	_ = 	snop  }
0x2a: {  	[tilespmem:s14], [sflag:$0x1] =	stream.indirect_vreg.gather [hbm4b:s5+s2], $0x80, v3, vm0, $0xb8;
	[tilespmem:$0xC080] =	vst v63  }
0x2b: {  	v3 =	vld [tilespmem:$0x10];
	_ =	sdelay $0x4  }
0x2c: {  	v57 =	vshrl.u32 v3, $0x3  }
0x2d: {  	v4 =	vmul.u32 $0x30, v57  }
0x2e: {  	v3 =	vand.u32 $0x7, v3  }
0x2f: {  	v3 =	vor.u32 v3, v4  }
0x30: {  	v4 =	vperm.xlane v3, v0;
	_ =	sdelay $0x1  }
0x31: {  	v4 =	vadd.s32 v1, v4;
	_ =	sdelay $0x3  }
0x32: {  	v3 =	vperm.xlane v3, v2  }
0x33: {  	[tilespmem:s15], [sflag:$0x1] =	stream.indirect_vreg.gather [hbm4b:s3+s2], $0x80, v4, vm0, $0xb8;
	[tilespmem:$0xC080] =	vst v63  }
0x34: {  	v3 =	vadd.s32 v1, v3  }
0x35: {  	[tilespmem:s16], [sflag:$0x1] =	stream.indirect_vreg.gather [hbm4b:s4+s2], $0x80, v4, vm0, $0xb8;
	[tilespmem:$0xC080] =	vst v63  }
0x36: {  	_ = 	snop  }
0x37: {  	[tilespmem:s17], [sflag:$0x1] =	stream.indirect_vreg.gather [hbm4b:s5+s2], $0x80, v4, vm0, $0xb8;
	[tilespmem:$0xC080] =	vst v63  }
0x38: {  	_ = 	snop  }
0x39: {  	[tilespmem:s18], [sflag:$0x1] =	stream.indirect_vreg.gather [hbm4b:s3+s2], $0x80, v3, vm0, $0xb8;
	[tilespmem:$0xC080] =	vst v63  }
0x3a: {  	_ = 	snop  }
0x3b: {  	[tilespmem:s19], [sflag:$0x1] =	stream.indirect_vreg.gather [hbm4b:s4+s2], $0x80, v3, vm0, $0xb8;
	[tilespmem:$0xC080] =	vst v63  }
0x3c: {  	_ = 	snop  }
0x3d: {  	[tilespmem:s20], [sflag:$0x1] =	stream.indirect_vreg.gather [hbm4b:s5+s2], $0x80, v3, vm0, $0xb8;
	[tilespmem:$0xC080] =	vst v63  }
0x3e: {  	v3 =	vld [tilespmem:$0x20];
	_ =	sdelay $0x4  }
0x3f: {  	v58 =	vshrl.u32 v3, $0x3  }
0x40: {  	v4 =	vmul.u32 $0x30, v58  }
0x41: {  	v3 =	vand.u32 $0x7, v3  }
0x42: {  	v3 =	vor.u32 v3, v4  }
0x43: {  	v4 =	vperm.xlane v3, v0;
	_ =	sdelay $0x1  }
0x44: {  	v4 =	vadd.s32 v1, v4;
	_ =	sdelay $0x3  }
0x45: {  	v3 =	vperm.xlane v3, v2  }
0x46: {  	[tilespmem:s21], [sflag:$0x1] =	stream.indirect_vreg.gather [hbm4b:s3+s2], $0x80, v4, vm0, $0xb8;
	[tilespmem:$0xC080] =	vst v63  }
0x47: {  	v3 =	vadd.s32 v1, v3  }
0x48: {  	[tilespmem:s22], [sflag:$0x1] =	stream.indirect_vreg.gather [hbm4b:s4+s2], $0x80, v4, vm0, $0xb8;
	[tilespmem:$0xC080] =	vst v63  }
0x49: {  	_ = 	snop  }
0x4a: {  	[tilespmem:s23], [sflag:$0x1] =	stream.indirect_vreg.gather [hbm4b:s5+s2], $0x80, v4, vm0, $0xb8;
	[tilespmem:$0xC080] =	vst v63  }
0x4b: {  	_ = 	snop  }
0x4c: {  	[tilespmem:s24], [sflag:$0x1] =	stream.indirect_vreg.gather [hbm4b:s3+s2], $0x80, v3, vm0, $0xb8;
	[tilespmem:$0xC080] =	vst v63  }
0x4d: {  	_ = 	snop  }
0x4e: {  	[tilespmem:s25], [sflag:$0x1] =	stream.indirect_vreg.gather [hbm4b:s4+s2], $0x80, v3, vm0, $0xb8;
	[tilespmem:$0xC080] =	vst v63  }
0x4f: {  	_ = 	snop  }
0x50: {  	[tilespmem:s26], [sflag:$0x1] =	stream.indirect_vreg.gather [hbm4b:s5+s2], $0x80, v3, vm0, $0xb8;
	[tilespmem:$0xC080] =	vst v63  }
0x51: {  	v3 =	vld [tilespmem:$0x30];
	_ =	sdelay $0x4  }
0x52: {  	v59 =	vshrl.u32 v3, $0x3  }
0x53: {  	v4 =	vmul.u32 $0x30, v59  }
0x54: {  	v3 =	vand.u32 $0x7, v3  }
0x55: {  	v3 =	vor.u32 v3, v4  }
0x56: {  	v4 =	vperm.xlane v3, v0;
	_ =	sdelay $0x1  }
0x57: {  	v4 =	vadd.s32 v1, v4;
	_ =	sdelay $0x3  }
0x58: {  	v3 =	vperm.xlane v3, v2  }
0x59: {  	[tilespmem:s28], [sflag:$0x1] =	stream.indirect_vreg.gather [hbm4b:s3+s2], $0x80, v4, vm0, $0xb8;
	[tilespmem:$0xC080] =	vst v63  }
0x5a: {  	v3 =	vadd.s32 v1, v3  }
0x5b: {  	[tilespmem:s29], [sflag:$0x1] =	stream.indirect_vreg.gather [hbm4b:s4+s2], $0x80, v4, vm0, $0xb8;
	[tilespmem:$0xC080] =	vst v63  }
0x5c: {  	_ = 	snop  }
0x5d: {  	[tilespmem:s30], [sflag:$0x1] =	stream.indirect_vreg.gather [hbm4b:s5+s2], $0x80, v4, vm0, $0xb8;
	[tilespmem:$0xC080] =	vst v63  }
0x5e: {  	_ = 	snop  }
0x5f: {  	[tilespmem:s31], [sflag:$0x1] =	stream.indirect_vreg.gather [hbm4b:s3+s2], $0x80, v3, vm0, $0xb8;
	[tilespmem:$0xC080] =	vst v63  }
0x60: {  	s8 =	simm.s32 $0xB080  }
0x61: {  	[tilespmem:s8], [sflag:$0x1] =	stream.indirect_vreg.gather [hbm4b:s4+s2], $0x80, v3, vm0, $0xb8;
	[tilespmem:$0xC080] =	vst v63  }
0x62: {  	s8 =	simm.s32 $0xB880  }
0x63: {  	[tilespmem:s8], [sflag:$0x1] =	stream.indirect_vreg.gather [hbm4b:s5+s2], $0x80, v3, vm0, $0xb8;
	[tilespmem:$0xC080] =	vst v63  }
0x64: {  	_ =	swait.ge [sflag:s0], $0xC000  }
0x65: {  	[sflag:s0] =	ssyncset.done $0x0  }
0x66: {  	s9 =	rddreg [dreg:$0x3];
	[sflag:s0] =	ssyncadd.s32 $0xFFFF4000  }
0x67: {  	[hbm4b:s9+s2] =	stream.linear.scatter [tilespmem:s1], [sflag:$0x2], $0xC000, $0x38;
	[tilespmem:$0xC080] =	vst v63  }
0x68: {  	_ =	swait.ge [sflag:s7], $0xC000  }
0x69: {  	[sflag:s7] =	ssyncset.done $0x0  }
0x6a: {  	s9 =	rddreg [dreg:$0x4];
	[sflag:s7] =	ssyncadd.s32 $0xFFFF4000  }
0x6b: {  	[tilespmem:s2], [sflag:$0x2] =	stream.linear.gather [hbm4b:s9+s2], $0x40, $0x38;
	[tilespmem:$0xC080] =	vst v63  }
0x6c: {  	_ =	swait.ge [sflag:s7], $0x40  }
0x6d: {  	[sflag:s7] =	ssyncset.done $0x0  }
0x6e: {  	[sflag:s7] =	ssyncadd.s32 $0xFFFFFFC0  }
0x6f: {  	v3 =	vld [tilespmem:$0x0];
	_ =	sdelay $0x4  }
0x70: {  	v60 =	vshrl.u32 v3, $0x3  }
0x71: {  	v4 =	vmul.u32 $0x30, v60  }
0x72: {  	v3 =	vand.u32 $0x7, v3  }
0x73: {  	v3 =	vor.u32 v3, v4  }
0x74: {  	v4 =	vperm.xlane v3, v0;
	_ =	sdelay $0x1  }
0x75: {  	v4 =	vadd.s32 v1, v4;
	_ =	sdelay $0x3  }
0x76: {  	v3 =	vperm.xlane v3, v2  }
0x77: {  	[tilespmem:s1], [sflag:$0x1] =	stream.indirect_vreg.gather [hbm4b:s3+s2], $0x80, v4, vm0, $0xb8;
	[tilespmem:$0xC080] =	vst v63  }
0x78: {  	v3 =	vadd.s32 v1, v3  }
0x79: {  	[tilespmem:s10], [sflag:$0x1] =	stream.indirect_vreg.gather [hbm4b:s4+s2], $0x80, v4, vm0, $0xb8;
	[tilespmem:$0xC080] =	vst v63  }
0x7a: {  	_ = 	snop  }
0x7b: {  	[tilespmem:s11], [sflag:$0x1] =	stream.indirect_vreg.gather [hbm4b:s5+s2], $0x80, v4, vm0, $0xb8;
	[tilespmem:$0xC080] =	vst v63  }
0x7c: {  	_ = 	snop  }
0x7d: {  	[tilespmem:s12], [sflag:$0x1] =	stream.indirect_vreg.gather [hbm4b:s3+s2], $0x80, v3, vm0, $0xb8;
	[tilespmem:$0xC080] =	vst v63  }
0x7e: {  	_ = 	snop  }
0x7f: {  	[tilespmem:s13], [sflag:$0x1] =	stream.indirect_vreg.gather [hbm4b:s4+s2], $0x80, v3, vm0, $0xb8;
	[tilespmem:$0xC080] =	vst v63  }
0x80: {  	_ = 	snop  }
0x81: {  	[tilespmem:s14], [sflag:$0x1] =	stream.indirect_vreg.gather [hbm4b:s5+s2], $0x80, v3, vm0, $0xb8;
	[tilespmem:$0xC080] =	vst v63  }
0x82: {  	v3 =	vld [tilespmem:$0x10];
	_ =	sdelay $0x4  }
0x83: {  	v61 =	vshrl.u32 v3, $0x3  }
0x84: {  	v4 =	vmul.u32 $0x30, v61  }
0x85: {  	v3 =	vand.u32 $0x7, v3  }
0x86: {  	v3 =	vor.u32 v3, v4  }
0x87: {  	v4 =	vperm.xlane v3, v0;
	_ =	sdelay $0x1  }
0x88: {  	v4 =	vadd.s32 v1, v4;
	_ =	sdelay $0x3  }
0x89: {  	v3 =	vperm.xlane v3, v2  }
0x8a: {  	[tilespmem:s15], [sflag:$0x1] =	stream.indirect_vreg.gather [hbm4b:s3+s2], $0x80, v4, vm0, $0xb8;
	[tilespmem:$0xC080] =	vst v63  }
0x8b: {  	v3 =	vadd.s32 v1, v3  }
0x8c: {  	[tilespmem:s16], [sflag:$0x1] =	stream.indirect_vreg.gather [hbm4b:s4+s2], $0x80, v4, vm0, $0xb8;
	[tilespmem:$0xC080] =	vst v63  }
0x8d: {  	_ = 	snop  }
0x8e: {  	[tilespmem:s17], [sflag:$0x1] =	stream.indirect_vreg.gather [hbm4b:s5+s2], $0x80, v4, vm0, $0xb8;
	[tilespmem:$0xC080] =	vst v63  }
0x8f: {  	_ = 	snop  }
0x90: {  	[tilespmem:s18], [sflag:$0x1] =	stream.indirect_vreg.gather [hbm4b:s3+s2], $0x80, v3, vm0, $0xb8;
	[tilespmem:$0xC080] =	vst v63  }
0x91: {  	_ = 	snop  }
0x92: {  	[tilespmem:s19], [sflag:$0x1] =	stream.indirect_vreg.gather [hbm4b:s4+s2], $0x80, v3, vm0, $0xb8;
	[tilespmem:$0xC080] =	vst v63  }
0x93: {  	_ = 	snop  }
0x94: {  	[tilespmem:s20], [sflag:$0x1] =	stream.indirect_vreg.gather [hbm4b:s5+s2], $0x80, v3, vm0, $0xb8;
	[tilespmem:$0xC080] =	vst v63  }
0x95: {  	v3 =	vld [tilespmem:$0x20];
	_ =	sdelay $0x4  }
0x96: {  	v62 =	vshrl.u32 v3, $0x3  }
0x97: {  	v4 =	vmul.u32 $0x30, v62  }
0x98: {  	v3 =	vand.u32 $0x7, v3  }
0x99: {  	v3 =	vor.u32 v3, v4  }
0x9a: {  	v4 =	vperm.xlane v3, v0;
	_ =	sdelay $0x1  }
0x9b: {  	v4 =	vadd.s32 v1, v4;
	_ =	sdelay $0x3  }
0x9c: {  	v3 =	vperm.xlane v3, v2  }
0x9d: {  	[tilespmem:s21], [sflag:$0x1] =	stream.indirect_vreg.gather [hbm4b:s3+s2], $0x80, v4, vm0, $0xb8;
	[tilespmem:$0xC080] =	vst v63  }
0x9e: {  	v3 =	vadd.s32 v1, v3  }
0x9f: {  	[tilespmem:s22], [sflag:$0x1] =	stream.indirect_vreg.gather [hbm4b:s4+s2], $0x80, v4, vm0, $0xb8;
	[tilespmem:$0xC080] =	vst v63  }
0xa0: {  	_ = 	snop  }
0xa1: {  	[tilespmem:s23], [sflag:$0x1] =	stream.indirect_vreg.gather [hbm4b:s5+s2], $0x80, v4, vm0, $0xb8;
	[tilespmem:$0xC080] =	vst v63  }
0xa2: {  	_ = 	snop  }
0xa3: {  	[tilespmem:s24], [sflag:$0x1] =	stream.indirect_vreg.gather [hbm4b:s3+s2], $0x80, v3, vm0, $0xb8;
	[tilespmem:$0xC080] =	vst v63  }
0xa4: {  	_ = 	snop  }
0xa5: {  	[tilespmem:s25], [sflag:$0x1] =	stream.indirect_vreg.gather [hbm4b:s4+s2], $0x80, v3, vm0, $0xb8;
	[tilespmem:$0xC080] =	vst v63  }
0xa6: {  	_ = 	snop  }
0xa7: {  	[tilespmem:s26], [sflag:$0x1] =	stream.indirect_vreg.gather [hbm4b:s5+s2], $0x80, v3, vm0, $0xb8;
	[tilespmem:$0xC080] =	vst v63  }
0xa8: {  	v3 =	vld [tilespmem:$0x30];
	_ =	sdelay $0x4  }
0xa9: {  	v63 =	vshrl.u32 v3, $0x3  }
0xaa: {  	v4 =	vmul.u32 $0x30, v63  }
0xab: {  	v3 =	vand.u32 $0x7, v3  }
0xac: {  	v3 =	vor.u32 v3, v4  }
0xad: {  	v4 =	vperm.xlane v3, v0;
	_ =	sdelay $0x1  }
0xae: {  	v4 =	vadd.s32 v1, v4;
	_ =	sdelay $0x3  }
0xaf: {  	v3 =	vperm.xlane v3, v2  }
0xb0: {  	[tilespmem:s28], [sflag:$0x1] =	stream.indirect_vreg.gather [hbm4b:s3+s2], $0x80, v4, vm0, $0xb8;
	[tilespmem:$0xC080] =	vst v63  }
0xb1: {  	v3 =	vadd.s32 v1, v3  }
0xb2: {  	[tilespmem:s29], [sflag:$0x1] =	stream.indirect_vreg.gather [hbm4b:s4+s2], $0x80, v4, vm0, $0xb8;
	[tilespmem:$0xC080] =	vst v63  }
0xb3: {  	_ = 	snop  }
0xb4: {  	[tilespmem:s30], [sflag:$0x1] =	stream.indirect_vreg.gather [hbm4b:s5+s2], $0x80, v4, vm0, $0xb8;
	[tilespmem:$0xC080] =	vst v63  }
0xb5: {  	_ = 	snop  }
0xb6: {  	[tilespmem:s31], [sflag:$0x1] =	stream.indirect_vreg.gather [hbm4b:s3+s2], $0x80, v3, vm0, $0xb8;
	[tilespmem:$0xC080] =	vst v63  }
0xb7: {  	s9 =	simm.s32 $0xB080  }
0xb8: {  	[tilespmem:s9], [sflag:$0x1] =	stream.indirect_vreg.gather [hbm4b:s4+s2], $0x80, v3, vm0, $0xb8;
	[tilespmem:$0xC080] =	vst v63  }
0xb9: {  	_ = 	snop  }
0xba: {  	[tilespmem:s8], [sflag:$0x1] =	stream.indirect_vreg.gather [hbm4b:s5+s2], $0x80, v3, vm0, $0xb8;
	[tilespmem:$0xC080] =	vst v63  }
0xbb: {  	_ =	swait.ge [sflag:s0], $0xC000  }
0xbc: {  	p0 =	sne.s32 s6, $0x1;
	[sflag:s0] =	ssyncset.done $0x0  }
.Ltmp0:
0xbd: {  	s8 =	rddreg [dreg:$0x5];
	[sflag:s0] =	ssyncadd.s32 $0xFFFF4000;
	(pc) =	sbr.rel @p0 .LBB2_1-.Ltmp0, $4  }
0xbe: {  	[hbm4b:s8+s2] =	stream.linear.scatter [tilespmem:s1], [sflag:$0x2], $0xC000, $0x38;
	[tilespmem:$0xC080] =	vst v63  }
0xbf: {  	_ =	swait.ge [sflag:s7], $0xC000  }
0xc0: {  	[sflag:s7] =	ssyncset.done $0x0  }
0xc1: {  	s6 =	sadd.s32 $0xFFFFFFFF, s6;
	[sflag:s7] =	ssyncadd.s32 $0xFFFF4000  }
0xc2: {  	_ =	sfence.sel $0x180000  }
0xc3: {  	[bflag:$0x0] =	sbarrier.arrive $0xFFFF  }
0xc4: {  	_ =	strace $0x9000004A  }
0xc5: {  	s0 =	stileid.u32;
	[bflag:$0x2] =	sbarrier.arrive $0xFFFF  }
0xc6: {  	p0 =	sne.s32 s0, $0x0;
	s0 =	rddreg [dreg:$0x1]  }
0xc7: {  	s0 =	sadd.s32 @!p0 $0x100000, s0  }
0xc8: {  	[sflag:s0] =	ssyncadd.tile.s32 @!p0 $0x1;
	_ =	shalt  }
.Lfunc_end2:
_tile_overlayer_lowered:
.L_overlay_start_2:
0xc9: {  	(tag) =	ssettag $0x2  }
0xca: {  	s0 =	rddreg [dreg:$0x0];
	s2 =	stileid.u32  }
0xcb: {  	s1 =	rddreg [dreg:$0x1];
	p0 =	sne.s32 s2, $0x0  }
0xcc: {  	s3 =	rddreg [dreg:$0x2];
	[bflag:$0x3] =	sbarrier.arrive $0xFFFF;
	s2 =	simm.s32 @!p0 $0x1C02  }
0xcd: {  	[timem:s3], [sflag:s2] =	dma.local @!p0 [hbm:s0], s1  }
0xce: {  	s0 =	simm.s32 @!p0 $0x2  }
0xcf: {  	_ =	swait.ge @!p0 [sflag:s0], s1  }
0xd0: {  	s1 =	ssub.s32 @!p0 $0x0, s1;
	[sflag:s0] =	ssyncset.done @!p0 $0x0  }
0xd1: {  	[sflag:s0] =	ssyncadd.s32 @!p0 s1  }
0xd2: {  	[bflag:$0x3] =	sbarrier.arrive $0xFFFF  }
0xd3: {  	_ =	shalt  }

// kernel: kernel.8.cloned.1.call-start
scs
__scs_entry_jumppad:
0x0: {  	(pc) =	sbr.rel $0x88, $3  }
0x1: {  	(tag) =	ssettag $0x0;
	lr =	simm.s32 $0x1  }
0x2: {  	[smem:$0x3F93] =	sst lr;
	_ =	strace $0xD0000000  }
0x3: {  	_ = 	snop  }
0x4: {  	_ = 	snop  }
0x5: {  	_ = 	snop  }
0x6: {  	_ = 	snop  }
0x7: {  	_ = 	snop  }
__scs_overlays_trampoline_lowered:
0x8: {  	[smem:$0x3FA2] =	sst s0  }
0x9: {  	[smem:$0x3FA3] =	sst s1  }
0xa: {  	[smem:$0x3FA4] =	sst s2  }
0xb: {  	[smem:$0x3FA5] =	sst s3  }
0xc: {  	[smem:$0x3FA6] =	sst s4  }
0xd: {  	[smem:$0x3FA7] =	sst s5  }
0xe: {  	[smem:$0x3FA8] =	sst s6  }
0xf: {  	[smem:$0x3FA9] =	sst s7  }
0x10: {  	[smem:$0x3FAA] =	sst s8  }
0x11: {  	[smem:$0x3FAB] =	sst s9;
	s0 =	simm.s32 @!p0 $0x0  }
0x12: {  	s1 =	sld [smem:$0x3F91];
	s0 =	simm.s32 @p0 $0x1  }
0x13: {  	[smem:$0x3FAC] =	sst s0;
	s0 =	simm.s32 @!p1 $0x0  }
0x14: {  	s2 =	sld [smem:$0x3F90];
	s0 =	simm.s32 @p1 $0x1  }
0x15: {  	[smem:$0x3FAD] =	sst s0;
	s0 =	simm.s32 @!p2 $0x0  }
0x16: {  	s3 =	sld [smem:$0x3FDB];
	s0 =	simm.s32 @p2 $0x1  }
0x17: {  	s4 =	simm.s32 $0x1BF5;
	[smem:$0x3FAF] =	sst s0  }
0x18: {  	s0 =	sld [smem:$0x3F92];
	_ =	swait.ge [sflag:s4], $0x0  }
0x19: {  	s7 =	sld [smem:$0x3F93]  }
0x1a: {  	s8 =	sadd.s32 $0xFFFFE003, lr  }
0x1b: {  	s9 =	sadd.s32 $0xFFFFFEF7, lr;
	s5 =	simm.s32 $0xFFFFFFFF;
	p2 =	slt.u32 s8, $0xFFFFF086  }
0x1c: {  	p1 =	slt.u32 s9, $0xF7A;
	s5 =	simm.s32 @!p2 $0x0  }
0x1d: {  	s5 =	simm.s32 @p1 $0x1;
	p0 =	seq.s32 s7, s2  }
0x1e: {  	s7 =	smul.u32 @!p0 $0xF7A, s2;
	p2 =	seq.s32 @!p0 s5, $0x0  }
0x1f: {  	s9 =	smul.u32 $0xF7A, s1;
	s8 =	simm.s32 @!p0 $0x1BF5;
	p2 =	por !p2, p0  }
0x20: {  	[sflag:s8] =	ssyncset.s32 @!p0 $0xFFFFF086;
	s6 =	sadd.s32 @!p0 s3, s7;
	s7 =	simm.s32 @!p0 $0x108  }
0x21: {  	s3 =	sadd.s32 s3, s9;
	s6 =	sadd.s32 @!p0 $0x88, s6;
	s7 =	simm.s32 @p2 $0x1082  }
0x22: {  	[simem:s7], [sflag:s8] =	dma.local @!p0 [hbm:s6], $0xF7A  }
0x23: {  	s9 =	sor.u32 $0xD0000000, s2;
	s6 =	simm.s32 $0x108;
	_ =	swait.ge @!p0 [sflag:s8], $0x0  }
0x24: {  	s3 =	sadd.s32 $0x88, s3;
	s6 =	simm.s32 @!p1 $0x1082;
	[sflag:s4] =	ssyncset.s32 $0xFFFFF086  }
0x25: {  	[simem:s6], [sflag:s4] =	dma.local [hbm:s3], $0xF7A  }
0x26: {  	[smem:$0x3F93] =	sst s1;
	(tag) =	ssettag s2;
	_ =	strace s9  }
0x27: {  	s1 =	sld [smem:$0x3FA3]  }
0x28: {  	s2 =	sld [smem:$0x3FA4]  }
0x29: {  	s4 =	sld [smem:$0x3FA6]  }
0x2a: {  	p0 =	seq.s32 s5, $0x0;
	s5 =	sld [smem:$0x3FA7]  }
0x2b: {  	s6 =	sld [smem:$0x3FA8]  }
0x2c: {  	s7 =	sld [smem:$0x3FA9]  }
0x2d: {  	s3 =	simm.s32 $0x108;
	s8 =	sld [smem:$0x3FAA]  }
0x2e: {  	s3 =	simm.s32 @!p0 $0x1082;
	s9 =	sld [smem:$0x3FAB]  }
0x2f: {  	lr =	sadd.s32 s0, s3;
	s0 =	sld [smem:$0x3FA2]  }
0x30: {  	s3 =	sld [smem:$0x3FA5]  }
0x31: {  	[smem:$0x3FAE] =	sst s10  }
0x32: {  	s10 =	sld [smem:$0x3FAC];
	_ =	sdelay $0x3  }
0x33: {  	p0 =	seq.s32 s10, $0x1;
	s10 =	sld [smem:$0x3FAE];
	_ =	sdelay $0x3  }
0x34: {  	[smem:$0x3FAE] =	sst s10  }
0x35: {  	s10 =	sld [smem:$0x3FAD];
	_ =	sdelay $0x3  }
0x36: {  	p1 =	seq.s32 s10, $0x1;
	s10 =	sld [smem:$0x3FAE];
	_ =	sdelay $0x3  }
0x37: {  	[smem:$0x3FAE] =	sst s10  }
0x38: {  	s10 =	sld [smem:$0x3FAF]  }
0x39: {  	_ = 	snop;
	(pc) =	sbr.ind lr, $3  }
0x3a: {  	_ = 	snop  }
0x3b: {  	_ = 	snop  }
0x3c: {  	p2 =	seq.s32 s10, $0x1;
	s10 =	sld [smem:$0x3FAE]  }
0x3d: {  	_ =	shalt  }
0x3e: {  	_ =	shalt  }
0x3f: {  	_ =	shalt  }
0x40: {  	_ =	shalt  }
0x41: {  	_ =	shalt  }
0x42: {  	_ =	shalt  }
0x43: {  	_ =	shalt  }
0x44: {  	_ =	shalt  }
0x45: {  	_ =	shalt  }
0x46: {  	_ =	shalt  }
0x47: {  	_ =	shalt  }
0x48: {  	_ =	shalt  }
0x49: {  	_ =	shalt  }
0x4a: {  	_ =	shalt  }
0x4b: {  	_ =	shalt  }
0x4c: {  	_ =	shalt  }
0x4d: {  	_ =	shalt  }
0x4e: {  	_ =	shalt  }
0x4f: {  	_ =	shalt  }
0x50: {  	_ =	shalt  }
0x51: {  	_ =	shalt  }
0x52: {  	_ =	shalt  }
0x53: {  	_ =	shalt  }
0x54: {  	_ =	shalt  }
0x55: {  	_ =	shalt  }
0x56: {  	_ =	shalt  }
0x57: {  	_ =	shalt  }
0x58: {  	_ =	shalt  }
0x59: {  	_ =	shalt  }
0x5a: {  	_ =	shalt  }
0x5b: {  	_ =	shalt  }
0x5c: {  	_ =	shalt  }
0x5d: {  	_ =	shalt  }
0x5e: {  	_ =	shalt  }
0x5f: {  	_ =	shalt  }
0x60: {  	_ =	shalt  }
0x61: {  	_ =	shalt  }
0x62: {  	_ =	shalt  }
0x63: {  	_ =	shalt  }
0x64: {  	_ =	shalt  }
0x65: {  	_ =	shalt  }
0x66: {  	_ =	shalt  }
0x67: {  	_ =	shalt  }
0x68: {  	_ =	shalt  }
0x69: {  	_ =	shalt  }
0x6a: {  	_ =	shalt  }
0x6b: {  	_ =	shalt  }
0x6c: {  	_ =	shalt  }
0x6d: {  	_ =	shalt  }
0x6e: {  	_ =	shalt  }
0x6f: {  	_ =	shalt  }
0x70: {  	_ =	shalt  }
0x71: {  	_ =	shalt  }
0x72: {  	_ =	shalt  }
0x73: {  	_ =	shalt  }
0x74: {  	_ =	shalt  }
0x75: {  	_ =	shalt  }
0x76: {  	_ =	shalt  }
0x77: {  	_ =	shalt  }
0x78: {  	_ =	shalt  }
0x79: {  	_ =	shalt  }
0x7a: {  	_ =	shalt  }
0x7b: {  	_ =	shalt  }
0x7c: {  	_ =	shalt  }
0x7d: {  	_ =	shalt  }
0x7e: {  	_ =	shalt  }
0x7f: {  	_ =	shalt  }
0x80: {  	_ =	shalt  }
0x81: {  	_ =	shalt  }
0x82: {  	_ =	shalt  }
0x83: {  	_ =	shalt  }
0x84: {  	_ =	shalt  }
0x85: {  	_ =	shalt  }
0x86: {  	_ =	shalt  }
0x87: {  	_ =	shalt  }
.Lfunc_end0:
.L_simem_size_0:
called_computation_lowered:
.L_overlay_start_0:
0x88: {  	s2 =	sld [smem:$0x3FD9]  }
0x89: {  	s3 =	sld [smem:$0x3FFE];
	_ =	sdelay $0x1  }
0x8a: {  	s1 =	srdreg.scid  }
0x8b: {  	s0 =	sand.u32 $0x1, s1  }
0x8c: {  	s17 =	sshll.u32 s0, $0xA;
	s2 =	sadd.s32 s3, s2  }
0x8d: {  	s2 =	sadd.s32 s2, s17  }
0x8e: {  	[smem:$0x3FBA] =	sst s2  }
0x8f: {  	_ = 	snop  }
0x90: {  	s2 =	sld [smem:$0x3FD0];
	(tm) =	ssettm $0x1  }
0x91: {  	s18 =	sld [smem:$0x3FFB];
	_ =	sdelay $0x3  }
0x92: {  	_ =	strace s18  }
0x93: {  	s3 =	sld [smem:$0x3FFC];
	_ =	sdelay $0x3  }
0x94: {  	_ =	strace s3  }
0x95: {  	s3 =	sld [smem:$0x3FFD];
	_ =	sdelay $0x3  }
0x96: {  	_ =	strace s3  }
0x97: {  	_ =	strace $0x8FFFFFFF  }
0x98: {  	s19 =	sld [smem:$0x3FDB];
	_ =	sdelay $0x1  }
0x99: {  	s4 =	simm.s32 $_scs_section_size  }
0x9a: {  	s5 =	simm.s32 $_size__tile_overlayer_lowered;
	s6 =	simm.s32 $_tile_overlayer_lowered  }
0x9b: {  	s22 =	simm.s32 $0x1BFF;
	s21 =	sshll.u32 s6, $0x1;
	s3 =	sadd.s32 s4, s19  }
0x9c: {  	s7 =	simm.s32 $0x0;
	s20 =	sshll.u32 s5, $0x1;
	s5 =	sadd.s32 s21, s3  }
0x9d: {  	[timem:s7], [sflag:s22] =	dma.local [hbm:s5], s20  }
0x9e: {  	_ =	swait.ge [sflag:s22], s20  }
0x9f: {  	s4 =	ssub.s32 $0x0, s20;
	[sflag:s22] =	ssyncset.done $0x0  }
0xa0: {  	[sflag:s22] =	ssyncadd.s32 s4;
	_ =	sdelay $0x1  }
0xa1: {  	s23 =	simm.s32 $0x1B8B  }
0xa2: {  	_ =	swait.ge [sflag:s23], $0x1  }
0xa3: {  	[sflag:s23] =	ssyncset.done $0x0  }
0xa4: {  	s25 =	simm.s32 $0x1B8E;
	s24 =	sld [smem:$0x3FFE];
	[sflag:s23] =	ssyncadd.s32 $0xFFFFFFFF  }
0xa5: {  	s26 =	simm.s32 $execute0_lowered;
	[smem:$0x3FD2] =	sst s25  }
0xa6: {  	s5 =	sshll.u32 s26, $0x1;
	_ =	strace $0x80000046;
	[dreg:$0x1] =	wrdreg $0xFFFFFFFF  }
0xa7: {  	s28 =	simm.s32 $_size_execute0_lowered;
	s3 =	sadd.s32 s3, s5;
	[dreg:$0x0] =	wrdreg $0x0  }
0xa8: {  	s5 =	sshll.u32 s28, $0x1;
	[dreg:$0x2] =	wrdreg s3  }
0xa9: {  	[dreg:$0x3] =	wrdreg s5  }
0xaa: {  	[dreg:$0x4] =	wrdreg $0xC0  }
0xab: {  	_ =	task [dreg:s7], $0x5FFFF  }
0xac: {  	[dreg:$0x1] =	wrdreg $0xFFFFFFFF  }
0xad: {  	[dreg:$0x0] =	wrdreg $0x60  }
0xae: {  	[dreg:$0x2] =	wrdreg s2  }
0xaf: {  	[dreg:$0x3] =	wrdreg s24  }
0xb0: {  	[dreg:$0x4] =	wrdreg $0x9  }
0xb1: {  	_ =	task.clear_ibuf [dreg:s7], $0x5FFFF;
	_ =	strace $0x90000046  }
0xb2: {  	s29 =	simm.s32 $0x9;
	_ =	strace $0x80000048  }
0xb3: {  	_ =	swait.ge [sflag:s29], $0x1  }
0xb4: {  	[sflag:s29] =	ssyncadd.s32 $0xFFFFFFFF  }
0xb5: {  	_ =	strace $0x90000048  }
0xb6: {  	_ =	sfence  }
0xb7: {  	s30 =	sld [smem:$0x0];
	_ =	sdelay $0x2  }
0xb8: {  	s31 =	sshll.u32 s1, $0xD;
	s1 =	sshrl.u32 s1, $0x2  }
0xb9: {  	s3 =	sand.u32 $0x4000, s31;
	s1 =	sadd.s32 s1, s30  }
0xba: {  	s0 =	sor.u32 s3, s0;
	s1 =	sshll.u32 s1, $0x11  }
0xbb: {  	s0 =	sor.u32 s1, s0  }
0xbc: {  	s0 =	sadd.s32 $0x8F2B, s0  }
0xbd: {  	[sflag:s0] =	ssyncadd.remote.s32 $0x1  }
0xbe: {  	_ =	sfence.sel $0xFFFF  }
0xbf: {  	[dreg:$0x0] =	wrdreg $0xFFFFFFFF;
	(pc) =	sbr.abs _section_cstart, $3  }
0xc0: {  	[dreg:$0x1] =	wrdreg $0xFFFFFFFF  }
0xc1: {  	_ =	task.clear_ibuf [dreg:s7], $0x2FFFF;
	_ =	strace $0x9FFFFFFF  }
0xc2: {  	(tm) =	ssettm $0x7FFFFFFF  }
0xc3: {  	_ =	shalt  }
tec
execute0_lowered:
.L_overlay_start_1:
0x0: {  	(tag) =	ssettag $0x1  }
0x1: {  	s1 =	srdreg.scid;
	s3 =	rddreg [dreg:$0x0]  }
0x2: {  	s0 =	stileid.u32;
	s5 =	rddreg [dreg:$0x1]  }
0x3: {  	s2 =	simm.s32 $0x0;
	s8 =	simm.s32 $0x80;
	s10 =	simm.s32 $0x1100  }
0x4: {  	s11 =	simm.s32 $0x1900;
	s12 =	simm.s32 $0x2100;
	s13 =	simm.s32 $0x2900  }
0x5: {  	s14 =	simm.s32 $0x3100;
	s15 =	simm.s32 $0x3900;
	s16 =	simm.s32 $0x4100  }
0x6: {  	s17 =	simm.s32 $0x4900;
	s18 =	simm.s32 $0x5100;
	s19 =	simm.s32 $0x5900  }
0x7: {  	s20 =	simm.s32 $0x6100;
	s21 =	simm.s32 $0x6900;
	s22 =	simm.s32 $0x7100  }
0x8: {  	s23 =	simm.s32 $0x7900;
	s24 =	simm.s32 $0x8100;
	s25 =	simm.s32 $0x8900  }
0x9: {  	s28 =	simm.s32 $0x9900;
	s29 =	simm.s32 $0xA100;
	s30 =	simm.s32 $0xA900  }
0xa: {  	s31 =	simm.s32 $0xB100;
	s1 =	sand.u32 $0x1, s1;
	[smem:$0x7FF] =	sst s2  }
0xb: {  	s4 =	sshll.u32 s0, $0x4;
	s6 =	sshll.u32 s1, $0x3;
	_ =	strace $0x80000047  }
0xc: {  	s1 =	ssub.s32 $0x2, s1;
	[dreg:$0x6] =	wrdreg s8;
	s4 =	sor.u32 s6, s4  }
0xd: {  	s8 =	simm.s32 $0x100;
	s26 =	sshrl.u32 s1, $0x1;
	s6 =	sadd.s32 s4, s5  }
0xe: {  	s4 =	smul.u32 $0x300, s4;
	s1 =	ssub.s32 s1, s26;
	s7 =	sadd.s32 $0x1200, s6  }
0xf: {  	s26 =	simm.s32 $0x9100;
	s6 =	sadd.s32 $0x1400, s6;
	[dreg:$0x3] =	wrdreg s7  }
0x10: {  	v2 =	vlaneseq.u32;
	[dreg:$0x4] =	wrdreg s6;
	s4 =	sadd.s32 s3, s4;
	s3 =	sadd.s32 $0x1600, s5  }
0x11: {  	vm0 =	vmmov $0xffff;
	v1 =	vshrl.u32 v2, $0x3;
	s6 =	smax.u32 s1, $0x1;
	s7 =	simm.s32 $0x1;
	s1 =	simm.s32 $0xB900  }
0x12: {  	v0 =	vand.u32 $0x7, v2;
	v2 =	vor.u32 $0x8, v2;
	v1 =	vmul.u32 $0x8, v1;
	[dreg:$0x5] =	wrdreg s4;
	s4 =	sadd.s32 $0x1700, s5;
	s5 =	sadd.s32 $0x1800, s5  }
.LBB2_1:
0x13: {  	s0 =	rddreg [dreg:$0x3]  }
0x14: {  	[tilespmem:s2], [sflag:$0x1] =	stream.linear.gather [hbm4b:s0+s2], $0x40, $0x38;
	[tilespmem:$0xC100] =	vst v63  }
0x15: {  	_ =	swait.ge [sflag:s7], $0x40  }
0x16: {  	s0 =	rddreg [dreg:$0x4];
	[sflag:s7] =	ssyncset.done $0x0  }
0x17: {  	s9 =	rddreg [dreg:$0x6];
	[sflag:s7] =	ssyncadd.s32 $0xFFFFFFC0  }
0x18: {  	[tilespmem:s9], [sflag:$0x1] =	stream.linear.gather [hbm4b:s0+s2], $0x40, $0x38;
	[tilespmem:$0xC100] =	vst v63  }
0x19: {  	_ =	swait.ge [sflag:s7], $0x40  }
0x1a: {  	[sflag:s7] =	ssyncset.done $0x0  }
0x1b: {  	s9 =	rddreg [dreg:$0x5];
	[sflag:s7] =	ssyncadd.s32 $0xFFFFFFC0  }
0x1c: {  	[tilespmem:s8], [sflag:$0x1] =	stream.linear.gather [hbm4b:s9+s2], $0xC000, $0x38;
	[tilespmem:$0xC100] =	vst v63  }
0x1d: {  	_ =	swait.ge [sflag:s7], $0xC000  }
0x1e: {  	[sflag:s7] =	ssyncset.done $0x0  }
0x1f: {  	[sflag:s7] =	ssyncadd.s32 $0xFFFF4000  }
0x20: {  	v3 =	vld [tilespmem:$0x0];
	_ =	sdelay $0x4  }
0x21: {  	v4 =	vshrl.u32 v3, $0x3  }
0x22: {  	v4 =	vmul.u32 $0x30, v4  }
0x23: {  	v3 =	vand.u32 $0x7, v3  }
0x24: {  	v3 =	vor.u32 v3, v4  }
0x25: {  	v4 =	vperm.xlane v3, v0;
	_ =	sdelay $0x1  }
0x26: {  	v4 =	vadd.s32 v1, v4;
	_ =	sdelay $0x3  }
0x27: {  	v3 =	vperm.xlane v3, v2  }
0x28: {  	[hbm4b:s3+s2] =	stream.indirect_vreg.scatter [tilespmem:s8], [sflag:$0x1], $0x80, v4, vm0, $0xb8;
	[tilespmem:$0xC100] =	vst v63  }
0x29: {  	s9 =	simm.s32 $0x900;
	v3 =	vadd.s32 v1, v3  }
0x2a: {  	[hbm4b:s4+s2] =	stream.indirect_vreg.scatter [tilespmem:s9], [sflag:$0x1], $0x80, v4, vm0, $0xb8;
	[tilespmem:$0xC100] =	vst v63  }
0x2b: {  	_ = 	snop  }
0x2c: {  	[hbm4b:s5+s2] =	stream.indirect_vreg.scatter [tilespmem:s10], [sflag:$0x1], $0x80, v4, vm0, $0xb8;
	[tilespmem:$0xC100] =	vst v63  }
0x2d: {  	_ = 	snop  }
0x2e: {  	[hbm4b:s3+s2] =	stream.indirect_vreg.scatter [tilespmem:s11], [sflag:$0x1], $0x80, v3, vm0, $0xb8;
	[tilespmem:$0xC100] =	vst v63  }
0x2f: {  	_ = 	snop  }
0x30: {  	[hbm4b:s4+s2] =	stream.indirect_vreg.scatter [tilespmem:s12], [sflag:$0x1], $0x80, v3, vm0, $0xb8;
	[tilespmem:$0xC100] =	vst v63  }
0x31: {  	_ = 	snop  }
0x32: {  	[hbm4b:s5+s2] =	stream.indirect_vreg.scatter [tilespmem:s13], [sflag:$0x1], $0x80, v3, vm0, $0xb8;
	[tilespmem:$0xC100] =	vst v63  }
0x33: {  	v3 =	vld [tilespmem:$0x10];
	_ =	sdelay $0x4  }
0x34: {  	v57 =	vshrl.u32 v3, $0x3  }
0x35: {  	v4 =	vmul.u32 $0x30, v57  }
0x36: {  	v3 =	vand.u32 $0x7, v3  }
0x37: {  	v3 =	vor.u32 v3, v4  }
0x38: {  	v4 =	vperm.xlane v3, v0;
	_ =	sdelay $0x1  }
0x39: {  	v4 =	vadd.s32 v1, v4;
	_ =	sdelay $0x3  }
0x3a: {  	v3 =	vperm.xlane v3, v2  }
0x3b: {  	[hbm4b:s3+s2] =	stream.indirect_vreg.scatter [tilespmem:s14], [sflag:$0x1], $0x80, v4, vm0, $0xb8;
	[tilespmem:$0xC100] =	vst v63  }
0x3c: {  	v3 =	vadd.s32 v1, v3  }
0x3d: {  	[hbm4b:s4+s2] =	stream.indirect_vreg.scatter [tilespmem:s15], [sflag:$0x1], $0x80, v4, vm0, $0xb8;
	[tilespmem:$0xC100] =	vst v63  }
0x3e: {  	_ = 	snop  }
0x3f: {  	[hbm4b:s5+s2] =	stream.indirect_vreg.scatter [tilespmem:s16], [sflag:$0x1], $0x80, v4, vm0, $0xb8;
	[tilespmem:$0xC100] =	vst v63  }
0x40: {  	_ = 	snop  }
0x41: {  	[hbm4b:s3+s2] =	stream.indirect_vreg.scatter [tilespmem:s17], [sflag:$0x1], $0x80, v3, vm0, $0xb8;
	[tilespmem:$0xC100] =	vst v63  }
0x42: {  	_ = 	snop  }
0x43: {  	[hbm4b:s4+s2] =	stream.indirect_vreg.scatter [tilespmem:s18], [sflag:$0x1], $0x80, v3, vm0, $0xb8;
	[tilespmem:$0xC100] =	vst v63  }
0x44: {  	_ = 	snop  }
0x45: {  	[hbm4b:s5+s2] =	stream.indirect_vreg.scatter [tilespmem:s19], [sflag:$0x1], $0x80, v3, vm0, $0xb8;
	[tilespmem:$0xC100] =	vst v63  }
0x46: {  	v3 =	vld [tilespmem:$0x20];
	_ =	sdelay $0x4  }
0x47: {  	v58 =	vshrl.u32 v3, $0x3  }
0x48: {  	v4 =	vmul.u32 $0x30, v58  }
0x49: {  	v3 =	vand.u32 $0x7, v3  }
0x4a: {  	v3 =	vor.u32 v3, v4  }
0x4b: {  	v4 =	vperm.xlane v3, v0;
	_ =	sdelay $0x1  }
0x4c: {  	v4 =	vadd.s32 v1, v4;
	_ =	sdelay $0x3  }
0x4d: {  	v3 =	vperm.xlane v3, v2  }
0x4e: {  	[hbm4b:s3+s2] =	stream.indirect_vreg.scatter [tilespmem:s20], [sflag:$0x1], $0x80, v4, vm0, $0xb8;
	[tilespmem:$0xC100] =	vst v63  }
0x4f: {  	v3 =	vadd.s32 v1, v3  }
0x50: {  	[hbm4b:s4+s2] =	stream.indirect_vreg.scatter [tilespmem:s21], [sflag:$0x1], $0x80, v4, vm0, $0xb8;
	[tilespmem:$0xC100] =	vst v63  }
0x51: {  	_ = 	snop  }
0x52: {  	[hbm4b:s5+s2] =	stream.indirect_vreg.scatter [tilespmem:s22], [sflag:$0x1], $0x80, v4, vm0, $0xb8;
	[tilespmem:$0xC100] =	vst v63  }
0x53: {  	_ = 	snop  }
0x54: {  	[hbm4b:s3+s2] =	stream.indirect_vreg.scatter [tilespmem:s23], [sflag:$0x1], $0x80, v3, vm0, $0xb8;
	[tilespmem:$0xC100] =	vst v63  }
0x55: {  	_ = 	snop  }
0x56: {  	[hbm4b:s4+s2] =	stream.indirect_vreg.scatter [tilespmem:s24], [sflag:$0x1], $0x80, v3, vm0, $0xb8;
	[tilespmem:$0xC100] =	vst v63  }
0x57: {  	_ = 	snop  }
0x58: {  	[hbm4b:s5+s2] =	stream.indirect_vreg.scatter [tilespmem:s25], [sflag:$0x1], $0x80, v3, vm0, $0xb8;
	[tilespmem:$0xC100] =	vst v63  }
0x59: {  	v3 =	vld [tilespmem:$0x30];
	_ =	sdelay $0x4  }
0x5a: {  	v59 =	vshrl.u32 v3, $0x3  }
0x5b: {  	v4 =	vmul.u32 $0x30, v59  }
0x5c: {  	v3 =	vand.u32 $0x7, v3  }
0x5d: {  	v3 =	vor.u32 v3, v4  }
0x5e: {  	v4 =	vperm.xlane v3, v0;
	_ =	sdelay $0x1  }
0x5f: {  	v4 =	vadd.s32 v1, v4;
	_ =	sdelay $0x3  }
0x60: {  	v3 =	vperm.xlane v3, v2  }
0x61: {  	[hbm4b:s3+s2] =	stream.indirect_vreg.scatter [tilespmem:s26], [sflag:$0x1], $0x80, v4, vm0, $0xb8;
	[tilespmem:$0xC100] =	vst v63  }
0x62: {  	v3 =	vadd.s32 v1, v3  }
0x63: {  	[hbm4b:s4+s2] =	stream.indirect_vreg.scatter [tilespmem:s28], [sflag:$0x1], $0x80, v4, vm0, $0xb8;
	[tilespmem:$0xC100] =	vst v63  }
0x64: {  	_ = 	snop  }
0x65: {  	[hbm4b:s5+s2] =	stream.indirect_vreg.scatter [tilespmem:s29], [sflag:$0x1], $0x80, v4, vm0, $0xb8;
	[tilespmem:$0xC100] =	vst v63  }
0x66: {  	_ = 	snop  }
0x67: {  	[hbm4b:s3+s2] =	stream.indirect_vreg.scatter [tilespmem:s30], [sflag:$0x1], $0x80, v3, vm0, $0xb8;
	[tilespmem:$0xC100] =	vst v63  }
0x68: {  	_ = 	snop  }
0x69: {  	[hbm4b:s4+s2] =	stream.indirect_vreg.scatter [tilespmem:s31], [sflag:$0x1], $0x80, v3, vm0, $0xb8;
	[tilespmem:$0xC100] =	vst v63  }
0x6a: {  	_ = 	snop  }
0x6b: {  	[hbm4b:s5+s2] =	stream.indirect_vreg.scatter [tilespmem:s1], [sflag:$0x1], $0x80, v3, vm0, $0xb8;
	[tilespmem:$0xC100] =	vst v63  }
0x6c: {  	_ =	swait.ge [sflag:s7], $0xC000  }
0x6d: {  	[sflag:s7] =	ssyncset.done $0x0  }
0x6e: {  	[sflag:s7] =	ssyncadd.s32 $0xFFFF4000  }
0x6f: {  	v3 =	vld [tilespmem:$0x80];
	_ =	sdelay $0x4  }
0x70: {  	v60 =	vshrl.u32 v3, $0x3  }
0x71: {  	v4 =	vmul.u32 $0x30, v60  }
0x72: {  	v3 =	vand.u32 $0x7, v3  }
0x73: {  	v3 =	vor.u32 v3, v4  }
0x74: {  	v4 =	vperm.xlane v3, v0;
	_ =	sdelay $0x1  }
0x75: {  	v4 =	vadd.s32 v1, v4;
	_ =	sdelay $0x3  }
0x76: {  	v3 =	vperm.xlane v3, v2  }
0x77: {  	[hbm4b:s3+s2] =	stream.indirect_vreg.scatter [tilespmem:s8], [sflag:$0x1], $0x80, v4, vm0, $0xb8;
	[tilespmem:$0xC100] =	vst v63  }
0x78: {  	v3 =	vadd.s32 v1, v3  }
0x79: {  	[hbm4b:s4+s2] =	stream.indirect_vreg.scatter [tilespmem:s9], [sflag:$0x1], $0x80, v4, vm0, $0xb8;
	[tilespmem:$0xC100] =	vst v63  }
0x7a: {  	_ = 	snop  }
0x7b: {  	[hbm4b:s5+s2] =	stream.indirect_vreg.scatter [tilespmem:s10], [sflag:$0x1], $0x80, v4, vm0, $0xb8;
	[tilespmem:$0xC100] =	vst v63  }
0x7c: {  	_ = 	snop  }
0x7d: {  	[hbm4b:s3+s2] =	stream.indirect_vreg.scatter [tilespmem:s11], [sflag:$0x1], $0x80, v3, vm0, $0xb8;
	[tilespmem:$0xC100] =	vst v63  }
0x7e: {  	_ = 	snop  }
0x7f: {  	[hbm4b:s4+s2] =	stream.indirect_vreg.scatter [tilespmem:s12], [sflag:$0x1], $0x80, v3, vm0, $0xb8;
	[tilespmem:$0xC100] =	vst v63  }
0x80: {  	_ = 	snop  }
0x81: {  	[hbm4b:s5+s2] =	stream.indirect_vreg.scatter [tilespmem:s13], [sflag:$0x1], $0x80, v3, vm0, $0xb8;
	[tilespmem:$0xC100] =	vst v63  }
0x82: {  	v3 =	vld [tilespmem:$0x90];
	_ =	sdelay $0x4  }
0x83: {  	v61 =	vshrl.u32 v3, $0x3  }
0x84: {  	v4 =	vmul.u32 $0x30, v61  }
0x85: {  	v3 =	vand.u32 $0x7, v3  }
0x86: {  	v3 =	vor.u32 v3, v4  }
0x87: {  	v4 =	vperm.xlane v3, v0;
	_ =	sdelay $0x1  }
0x88: {  	v4 =	vadd.s32 v1, v4;
	_ =	sdelay $0x3  }
0x89: {  	v3 =	vperm.xlane v3, v2  }
0x8a: {  	[hbm4b:s3+s2] =	stream.indirect_vreg.scatter [tilespmem:s14], [sflag:$0x1], $0x80, v4, vm0, $0xb8;
	[tilespmem:$0xC100] =	vst v63  }
0x8b: {  	v3 =	vadd.s32 v1, v3  }
0x8c: {  	[hbm4b:s4+s2] =	stream.indirect_vreg.scatter [tilespmem:s15], [sflag:$0x1], $0x80, v4, vm0, $0xb8;
	[tilespmem:$0xC100] =	vst v63  }
0x8d: {  	_ = 	snop  }
0x8e: {  	[hbm4b:s5+s2] =	stream.indirect_vreg.scatter [tilespmem:s16], [sflag:$0x1], $0x80, v4, vm0, $0xb8;
	[tilespmem:$0xC100] =	vst v63  }
0x8f: {  	_ = 	snop  }
0x90: {  	[hbm4b:s3+s2] =	stream.indirect_vreg.scatter [tilespmem:s17], [sflag:$0x1], $0x80, v3, vm0, $0xb8;
	[tilespmem:$0xC100] =	vst v63  }
0x91: {  	_ = 	snop  }
0x92: {  	[hbm4b:s4+s2] =	stream.indirect_vreg.scatter [tilespmem:s18], [sflag:$0x1], $0x80, v3, vm0, $0xb8;
	[tilespmem:$0xC100] =	vst v63  }
0x93: {  	_ = 	snop  }
0x94: {  	[hbm4b:s5+s2] =	stream.indirect_vreg.scatter [tilespmem:s19], [sflag:$0x1], $0x80, v3, vm0, $0xb8;
	[tilespmem:$0xC100] =	vst v63  }
0x95: {  	v3 =	vld [tilespmem:$0xA0];
	_ =	sdelay $0x4  }
0x96: {  	v62 =	vshrl.u32 v3, $0x3  }
0x97: {  	v4 =	vmul.u32 $0x30, v62  }
0x98: {  	v3 =	vand.u32 $0x7, v3  }
0x99: {  	v3 =	vor.u32 v3, v4  }
0x9a: {  	v4 =	vperm.xlane v3, v0;
	_ =	sdelay $0x1  }
0x9b: {  	v4 =	vadd.s32 v1, v4;
	_ =	sdelay $0x3  }
0x9c: {  	v3 =	vperm.xlane v3, v2  }
0x9d: {  	[hbm4b:s3+s2] =	stream.indirect_vreg.scatter [tilespmem:s20], [sflag:$0x1], $0x80, v4, vm0, $0xb8;
	[tilespmem:$0xC100] =	vst v63  }
0x9e: {  	v3 =	vadd.s32 v1, v3  }
0x9f: {  	[hbm4b:s4+s2] =	stream.indirect_vreg.scatter [tilespmem:s21], [sflag:$0x1], $0x80, v4, vm0, $0xb8;
	[tilespmem:$0xC100] =	vst v63  }
0xa0: {  	_ = 	snop  }
0xa1: {  	[hbm4b:s5+s2] =	stream.indirect_vreg.scatter [tilespmem:s22], [sflag:$0x1], $0x80, v4, vm0, $0xb8;
	[tilespmem:$0xC100] =	vst v63  }
0xa2: {  	_ = 	snop  }
0xa3: {  	[hbm4b:s3+s2] =	stream.indirect_vreg.scatter [tilespmem:s23], [sflag:$0x1], $0x80, v3, vm0, $0xb8;
	[tilespmem:$0xC100] =	vst v63  }
0xa4: {  	_ = 	snop  }
0xa5: {  	[hbm4b:s4+s2] =	stream.indirect_vreg.scatter [tilespmem:s24], [sflag:$0x1], $0x80, v3, vm0, $0xb8;
	[tilespmem:$0xC100] =	vst v63  }
0xa6: {  	_ = 	snop  }
0xa7: {  	[hbm4b:s5+s2] =	stream.indirect_vreg.scatter [tilespmem:s25], [sflag:$0x1], $0x80, v3, vm0, $0xb8;
	[tilespmem:$0xC100] =	vst v63  }
0xa8: {  	v3 =	vld [tilespmem:$0xB0];
	_ =	sdelay $0x4  }
0xa9: {  	v63 =	vshrl.u32 v3, $0x3  }
0xaa: {  	v4 =	vmul.u32 $0x30, v63  }
0xab: {  	v3 =	vand.u32 $0x7, v3  }
0xac: {  	v3 =	vor.u32 v3, v4  }
0xad: {  	v4 =	vperm.xlane v3, v0;
	_ =	sdelay $0x1  }
0xae: {  	v4 =	vadd.s32 v1, v4;
	_ =	sdelay $0x3  }
0xaf: {  	v3 =	vperm.xlane v3, v2  }
0xb0: {  	[hbm4b:s3+s2] =	stream.indirect_vreg.scatter [tilespmem:s26], [sflag:$0x1], $0x80, v4, vm0, $0xb8;
	[tilespmem:$0xC100] =	vst v63  }
0xb1: {  	v3 =	vadd.s32 v1, v3  }
0xb2: {  	[hbm4b:s4+s2] =	stream.indirect_vreg.scatter [tilespmem:s28], [sflag:$0x1], $0x80, v4, vm0, $0xb8;
	[tilespmem:$0xC100] =	vst v63  }
0xb3: {  	_ = 	snop  }
0xb4: {  	[hbm4b:s5+s2] =	stream.indirect_vreg.scatter [tilespmem:s29], [sflag:$0x1], $0x80, v4, vm0, $0xb8;
	[tilespmem:$0xC100] =	vst v63  }
0xb5: {  	_ = 	snop  }
0xb6: {  	[hbm4b:s3+s2] =	stream.indirect_vreg.scatter [tilespmem:s30], [sflag:$0x1], $0x80, v3, vm0, $0xb8;
	[tilespmem:$0xC100] =	vst v63  }
0xb7: {  	p0 =	sne.s32 s6, $0x1  }
0xb8: {  	[hbm4b:s4+s2] =	stream.indirect_vreg.scatter [tilespmem:s31], [sflag:$0x1], $0x80, v3, vm0, $0xb8;
	[tilespmem:$0xC100] =	vst v63  }
.Ltmp0:
0xb9: {  	_ = 	snop;
	(pc) =	sbr.rel @p0 .LBB2_1-.Ltmp0, $4  }
0xba: {  	[hbm4b:s5+s2] =	stream.indirect_vreg.scatter [tilespmem:s1], [sflag:$0x1], $0x80, v3, vm0, $0xb8;
	[tilespmem:$0xC100] =	vst v63  }
0xbb: {  	_ =	swait.ge [sflag:s7], $0xC000  }
0xbc: {  	[sflag:s7] =	ssyncset.done $0x0  }
0xbd: {  	s6 =	sadd.s32 $0xFFFFFFFF, s6;
	[sflag:s7] =	ssyncadd.s32 $0xFFFF4000  }
0xbe: {  	_ =	sfence.sel $0x180000  }
0xbf: {  	[bflag:$0x0] =	sbarrier.arrive $0xFFFF  }
0xc0: {  	_ =	strace $0x90000047  }
0xc1: {  	s0 =	stileid.u32;
	[bflag:$0x2] =	sbarrier.arrive $0xFFFF  }
0xc2: {  	p0 =	sne.s32 s0, $0x0;
	s0 =	rddreg [dreg:$0x2]  }
0xc3: {  	s0 =	sadd.s32 @!p0 $0x100000, s0  }
0xc4: {  	[sflag:s0] =	ssyncadd.tile.s32 @!p0 $0x1;
	_ =	shalt  }
.Lfunc_end2:
_tile_overlayer_lowered:
.L_overlay_start_2:
0xc5: {  	(tag) =	ssettag $0x2  }
0xc6: {  	s0 =	rddreg [dreg:$0x0];
	s2 =	stileid.u32  }
0xc7: {  	s1 =	rddreg [dreg:$0x1];
	p0 =	sne.s32 s2, $0x0  }
0xc8: {  	s3 =	rddreg [dreg:$0x2];
	[bflag:$0x3] =	sbarrier.arrive $0xFFFF;
	s2 =	simm.s32 @!p0 $0x1C01  }
0xc9: {  	[timem:s3], [sflag:s2] =	dma.local @!p0 [hbm:s0], s1  }
0xca: {  	s0 =	simm.s32 @!p0 $0x1  }
0xcb: {  	_ =	swait.ge @!p0 [sflag:s0], s1  }
0xcc: {  	s1 =	ssub.s32 @!p0 $0x0, s1;
	[sflag:s0] =	ssyncset.done @!p0 $0x0  }
0xcd: {  	[sflag:s0] =	ssyncadd.s32 @!p0 s1  }
0xce: {  	[bflag:$0x3] =	sbarrier.arrive $0xFFFF  }
0xcf: {  	_ =	shalt  }

</sc_bundles>
